<compile_context>
chip_gen: v7x
topology: tpu7x:2x2x1
jax: 0.10.2.dev20260603
libtpu: 0.0.44.dev20260713+nightly
codegen_flags: <defaults>
</compile_context>

<pallas_src>
import functools

import jax
import jax.numpy as jnp
from jax import lax
from jax.experimental import pallas as pl
from jax.experimental.pallas import tpu as pltpu
from jax.experimental.pallas import tpu_sc as plsc

NSYM = 1000
NDRUG = 1000000
DIM = 32
BATCH = 2
SEQ = 64
CP = 32256
NB = 32
NPAD = CP * NB


def _sset_body(symsT_ref, semb_ref, w_ref, b_ref, out_ref):
    for b in range(BATCH):
        ids = symsT_ref[:, b:b + 1]
        iota = lax.broadcasted_iota(jnp.int32, (SEQ, NSYM + 1), 1)
        oh = (iota == ids).astype(jnp.float32)
        emb = jnp.dot(oh, semb_ref[...], precision=lax.Precision.HIGHEST,
                      preferred_element_type=jnp.float32)
        a = jnp.dot(emb.astype(jnp.bfloat16), w_ref[...].astype(jnp.bfloat16),
                    preferred_element_type=jnp.float32) + b_ref[0, 0]
        m = jnp.max(a, axis=0, keepdims=True)
        e = jnp.exp(a - m)
        wts = e / jnp.sum(e, axis=0, keepdims=True)
        pooled = jnp.sum(wts * emb, axis=0, keepdims=True)
        n = jnp.sqrt(jnp.sum(pooled * pooled, axis=1, keepdims=True))
        out_ref[b:b + 1, :] = pooled / jnp.maximum(n, 1e-12)


def _compute_sset(symsT, sym_emb, attn_w, attn_b2):
    return pl.pallas_call(
        _sset_body,
        out_shape=jax.ShapeDtypeStruct((BATCH, DIM), jnp.float32),
    )(symsT, sym_emb, attn_w, attn_b2)


def _score_body(sset_ref, demb_ref, rs_ref, out_ref, acc_ref):
    i = pl.program_id(0)
    x = demb_ref[...]
    n = jnp.sqrt(jnp.sum(x * x, axis=1, keepdims=True))
    xn = x / jnp.maximum(n, 1e-12)
    dn = (((1,), (1,)), ((), ()))
    s2 = lax.dot_general(sset_ref[...].astype(jnp.bfloat16),
                         xn.astype(jnp.bfloat16), dn,
                         preferred_element_type=jnp.float32)
    sc = jnp.clip(s2, -10.0, 10.0)
    prob = jax.nn.sigmoid(sc)
    s = jnp.where(prob > 0.5, prob, 0.0)
    rid = lax.broadcasted_iota(jnp.int32, (BATCH, CP), 1) + i * CP
    s = jnp.where((rid >= 1) & (rid <= NDRUG), s, 0.0)
    out_ref[...] = s
    colsum = jnp.sum(s, axis=0, keepdims=True)
    part = jnp.sum(colsum * rs_ref[0])

    @pl.when(i == 0)
    def _():
        acc_ref[...] = jnp.zeros((1, 1), jnp.float32)

    acc_ref[...] = acc_ref[...] + part


def _score_call(s_set, drug_emb, rs_pad):
    return pl.pallas_call(
        _score_body,
        grid=(NB,),
        in_specs=[
            pl.BlockSpec((BATCH, DIM), lambda i: (0, 0)),
            pl.BlockSpec((CP, DIM), lambda i: (i, 0)),
            pl.BlockSpec((1, 1, CP), lambda i: (i, 0, 0)),
        ],
        out_specs=[
            pl.BlockSpec((BATCH, CP), lambda i: (0, i)),
            pl.BlockSpec((1, 1), lambda i: (0, 0)),
        ],
        out_shape=[
            jax.ShapeDtypeStruct((BATCH, NPAD), jnp.float32),
            jax.ShapeDtypeStruct((1, 1), jnp.float32),
        ],
    )(s_set, drug_emb, rs_pad)


NW = 32
RW = 496
GW = 16
NGW = RW // GW
TOTP = NW * RW * 128
SLAB = 62528
NBINS = 16 * SLAB


def _hist_body(idx_hbm, val_hbm, out_hbm, idx_v, val_v, zbuf, hist):
    c = lax.axis_index("c")
    s = lax.axis_index("s")
    w = s * 2 + c

    def zb(i, carry):
        zbuf[pl.ds(i * 16, 16)] = jnp.zeros((16,), jnp.float32)
        return carry

    lax.fori_loop(0, SLAB // 16, zb, 0)
    pltpu.sync_copy(zbuf, hist.at[pl.ds(s * SLAB, SLAB)])
    plsc.subcore_barrier()

    def grp(g, carry):
        pltpu.sync_copy(idx_hbm.at[w, pl.ds(g * GW, GW)], idx_v)
        pltpu.sync_copy(val_hbm.at[w, pl.ds(g * GW, GW)], val_v)
        for j in range(GW):
            pltpu.sync_copy(val_v.at[j], hist.at[idx_v.at[j]], add=True)
        return carry

    lax.fori_loop(0, NGW, grp, 0)
    plsc.subcore_barrier()
    pltpu.sync_copy(hist.at[pl.ds(s * SLAB, SLAB)], zbuf)
    pltpu.sync_copy(zbuf, out_hbm.at[c, s])


_hist_call = functools.partial(
    pl.kernel,
    out_type=jax.ShapeDtypeStruct((2, 16, SLAB), jnp.float32),
    mesh=plsc.VectorSubcoreMesh(core_axis_name="c", subcore_axis_name="s"),
    scratch_types=[
        pltpu.VMEM((GW, 128), jnp.int32),
        pltpu.VMEM((GW, 128), jnp.float32),
        pltpu.VMEM((SLAB,), jnp.float32),
        pltpu.VMEM_SHARED((NBINS,), jnp.float32),
    ],
)(_hist_body)


def _row_sums_shifted(ddi_indices, ddi_values):
    idxp = jnp.pad(ddi_indices[0] + 1, (0, TOTP - ddi_indices.shape[1]))
    valp = jnp.pad(ddi_values, (0, TOTP - ddi_values.shape[0]))
    parts = _hist_call(idxp.reshape(NW, RW, 128), valp.reshape(NW, RW, 128))
    return (parts[0] + parts[1]).reshape(NBINS)


def kernel(syms, drugs, similar_idx, sym_emb, drug_emb, attn_w, attn_b,
           ddi_indices, ddi_values):
    del drugs, similar_idx
    s_set = _compute_sset(syms.T, sym_emb, attn_w, attn_b.reshape(1, 1))
    rs = _row_sums_shifted(ddi_indices, ddi_values)
    rs_pad = jnp.pad(rs, (0, NPAD - NBINS)).reshape(NB, 1, CP)
    out_full, acc = _score_call(s_set, drug_emb, rs_pad)
    scores = lax.slice(out_full, (0, 1), (BATCH, NDRUG + 1))
    batch_neg = 1e-6 * acc[0, 0]
    scores_aug = jnp.float32(0.0)
    return (scores, scores_aug, batch_neg)

# --- scband reference (transcript-rebuilt; emitter-appended) ---
"""Pipeline reference for scband-model-77884936946005 (READ-ONLY COPY).

The authoritative reference and input builder live on the scoring server;
editing this copy changes nothing except your own understanding.
"""

import jax, jax.numpy as jnp
import numpy as np

N_SYM = 1000
N_DRUG = 1000000
EMBED_DIM = 32
B = 2
L = 64
NNZ = 2000000
STDV = float(1.0 / np.sqrt(EMBED_DIM))


def setup_inputs(seed: int = 0) -> dict:
    key = jax.random.key(seed)
    ks = jax.random.split(key, 9)
    syms = jax.random.randint(ks[0], (B, L), 0, N_SYM, dtype=jnp.int32)
    drugs = (jax.random.uniform(ks[1], (B, N_DRUG)) < 0.01).astype(jnp.float32)
    similar_idx = jax.random.randint(ks[2], (B,), 0, B, dtype=jnp.int32)
    sym_emb = jax.random.uniform(ks[3], (N_SYM + 1, EMBED_DIM), minval=-STDV, maxval=STDV, dtype=jnp.float32)
    drug_emb = jax.random.uniform(ks[4], (N_DRUG + 1, EMBED_DIM), minval=-STDV, maxval=STDV, dtype=jnp.float32)
    attn_w = jax.random.uniform(ks[5], (EMBED_DIM, 1), minval=-STDV, maxval=STDV, dtype=jnp.float32)
    attn_b = jax.random.uniform(ks[6], (1,), minval=-STDV, maxval=STDV, dtype=jnp.float32)
    ddi_indices = jax.random.randint(ks[7], (2, NNZ), 0, N_DRUG, dtype=jnp.int32)
    ddi_values = jnp.ones((NNZ,), dtype=jnp.float32)
    return {"syms": syms, "drugs": drugs, "similar_idx": similar_idx,
            "sym_emb": sym_emb, "drug_emb": drug_emb,
            "attn_w": attn_w, "attn_b": attn_b,
            "ddi_indices": ddi_indices, "ddi_values": ddi_values}


def _l2_normalize(x, eps=1e-12):
    n = jnp.sqrt(jnp.sum(x * x, axis=-1, keepdims=True))
    return x / jnp.maximum(n, eps)


def _sym_agg(x, w, b):
    # Attention(embed_dim): additive attention pooling over the set dim.
    scores = jnp.einsum('bld,do->blo', x, w) + b
    weights = jax.nn.softmax(scores, axis=1)
    return jnp.sum(weights * x, axis=1)


def reference(syms, drugs, similar_idx, sym_emb, drug_emb, attn_w, attn_b, ddi_indices, ddi_values):
    # sym embedding lookup (gather) + attention aggregation
    sym_embeds = jnp.take(sym_emb, syms, axis=0)              # [B, L, D]
    s_set = _sym_agg(sym_embeds, attn_w, attn_b)              # [B, D]
    s_set = _l2_normalize(s_set)
    # score all drugs (torch loops over 10000-sized chunks; mathematically identical done at once)
    drug_ids = jnp.arange(1, N_DRUG + 1)
    d_emb = _l2_normalize(jnp.take(drug_emb, drug_ids, axis=0))  # [N_DRUG, D]
    chunk_scores = jnp.clip(s_set @ d_emb.T, -10.0, 10.0)
    prob = jax.nn.sigmoid(chunk_scores)
    # torch builds a sparse COO keeping entries with prob > 0.5; dense-equivalent masked matrix
    scores = jnp.where(prob > 0.5, prob, 0.0)                 # [B, N_DRUG]
    # batch_neg = 1e-6 * sum of all entries of (scores @ ddi_adj)
    # sum_{b,j} sum_i S[b,i] A[i,j] = sum_i (sum_b S[b,i]) * rowsum_A[i]
    row_sums = jax.ops.segment_sum(ddi_values, ddi_indices[0], num_segments=N_DRUG)
    batch_neg = 1e-06 * jnp.sum(jnp.sum(scores, axis=0) * row_sums)
    # batch=2 so the (syms.shape[0] > 2) augmentation branch is skipped, matching torch
    scores_aug = jnp.asarray(0.0, dtype=jnp.float32)
    return (scores, scores_aug, batch_neg)

if __name__ == "__main__":
    import jax
    _d = setup_inputs()
    print(jax.jit(kernel)(*tuple(_d.values())))

</pallas_src>

<mosaic_0001>
#map = affine_map<(d0, d1) -> (0, 0, 0)>
module attributes {stable_mosaic.version = 14 : i64} {
  func.func @_hist_body(%arg0: i32, %arg1: i32, %arg2: memref<32x496x128xi32, #tpu.memory_space<hbm>>, %arg3: memref<32x496x128xf32, #tpu.memory_space<hbm>>, %arg4: memref<2x16x62528xf32, #tpu.memory_space<hbm>>, %arg5: memref<16x128xi32, #tpu.memory_space<vmem>>, %arg6: memref<16x128xf32, #tpu.memory_space<vmem>>, %arg7: memref<62528xf32, #tpu.memory_space<vmem>>, %arg8: memref<1000448xf32, #tpu.memory_space<vmem_shared>>) attributes {dimension_semantics = [#tpu.dimension_semantics<core_parallel>, #tpu.dimension_semantics<subcore_parallel>], iteration_bounds = array<i64: 2, 16>, scalar_prefetch = 0 : i64, scratch_operands = 4 : i64, tpu.core_type = #tpu.core_type<sc_vector_subcore>, window_params = [{transform_indices = #map}, {transform_indices = #map}, {transform_indices = #map}]} {
    %mul3A = arith.constant 2 : i32
    %mul3A_0 = arith.muli %arg1, %mul3A : i32
    %add3A = arith.addi %mul3A_0, %arg0 : i32
    %scan3A = arith.constant 0 : i32
    %scan3A_1 = arith.constant 0 : i32
    %scan3A_2 = arith.constant 3908 : i32
    %scan3A_3 = arith.addi %scan3A_1, %scan3A_2 : i32
    %scan3A_4 = arith.constant 1 : i32
    scf.for %scan3A_17 = %scan3A_1 to %scan3A_3 step %scan3A_4  : i32 {
      %broadcast_in_dim3A = arith.constant 0.000000e+00 : f32
      %broadcast_in_dim3A_18 = vector.broadcast %broadcast_in_dim3A : f32 to vector<16xf32>
      %mul3A_19 = arith.constant 16 : i32
      %mul3A_20 = arith.muli %scan3A_17, %mul3A_19 : i32
      %swap3A = arith.index_cast %mul3A_20 : i32 to index
      %swap3A_21 = tpu.vector_load %arg7[%swap3A] {strides = array<i32>} : memref<62528xf32, #tpu.memory_space<vmem>>, vector<16xf32>,
      %swap3A_22 = vector.shape_cast %swap3A_21 : vector<16xf32> to vector<16xf32>
      %swap3A_23 = vector.shape_cast %broadcast_in_dim3A_18 : vector<16xf32> to vector<16xf32>
      tpu.vector_store %arg7[%swap3A], %swap3A_23 {strides = array<i32>} : memref<62528xf32, #tpu.memory_space<vmem>>, vector<16xf32>,
    }
    %scan3A_5 = arith.constant 3908 : i32
    %mul3A_6 = arith.constant 62528 : i32
    %mul3A_7 = arith.muli %arg1, %mul3A_6 : i32
    "tpu.region"() ({
      %run_scoped3A = tpu.sem_alloc : memref<!tpu.dma_semaphore, #tpu.memory_space<semaphore_mem>>
      %dma_start3A = tpu.memref_slice %arg8[%mul3A_7] : memref<1000448xf32, #tpu.memory_space<vmem_shared>> -> memref<62528xf32, #tpu.memory_space<vmem_shared>>
      %dma_start3A_17 = tpu.memref_slice %arg8[%mul3A_7] : memref<1000448xf32, #tpu.memory_space<vmem_shared>> -> memref<62528xf32, #tpu.memory_space<vmem_shared>>
      tpu.enqueue_dma source(%arg7 : memref<62528xf32, #tpu.memory_space<vmem>>) target(%dma_start3A_17 : memref<62528xf32, #tpu.memory_space<vmem_shared>>) target_semaphore(%run_scoped3A : memref<!tpu.dma_semaphore, #tpu.memory_space<semaphore_mem>>)
      %dma_wait3A = tpu.memref_slice %arg8[%mul3A_7] : memref<1000448xf32, #tpu.memory_space<vmem_shared>> -> memref<62528xf32, #tpu.memory_space<vmem_shared>>
      %dma_wait3A_18 = tpu.memref_slice %arg8[%mul3A_7] : memref<1000448xf32, #tpu.memory_space<vmem_shared>> -> memref<62528xf32, #tpu.memory_space<vmem_shared>>
      tpu.wait_dma2 semaphore(%run_scoped3A : memref<!tpu.dma_semaphore, #tpu.memory_space<semaphore_mem>>) src(%arg7 : memref<62528xf32, #tpu.memory_space<vmem>>) dst(%dma_wait3A_18 : memref<62528xf32, #tpu.memory_space<vmem_shared>>)
      tpu.yield
    }) : () -> ()
    %barrier3A = arith.constant 0 : index
    tpu.barrier barrier_id(%barrier3A)
    %scan3A_8 = arith.constant 0 : i32
    %scan3A_9 = arith.constant 0 : i32
    %scan3A_10 = arith.constant 31 : i32
    %scan3A_11 = arith.addi %scan3A_9, %scan3A_10 : i32
    %scan3A_12 = arith.constant 1 : i32
    scf.for %scan3A_17 = %scan3A_9 to %scan3A_11 step %scan3A_12  : i32 {
      %mul3A_18 = arith.constant 16 : i32
      %mul3A_19 = arith.muli %scan3A_17, %mul3A_18 : i32
      "tpu.region"() ({
        %run_scoped3A_53 = tpu.sem_alloc : memref<!tpu.dma_semaphore, #tpu.memory_space<semaphore_mem>>
        %dma_start3A = arith.constant 0 : i32
        %dma_start3A_54 = tpu.memref_slice %arg2[%add3A, %mul3A_19, %dma_start3A] : memref<32x496x128xi32, #tpu.memory_space<hbm>> -> memref<1x16x128xi32, #tpu.memory_space<hbm>>
        %dma_start3A_55 = tpu.memref_squeeze %dma_start3A_54 : memref<1x16x128xi32, #tpu.memory_space<hbm>> -> memref<16x128xi32, #tpu.memory_space<hbm>>
        %dma_start3A_56 = arith.constant 0 : i32
        %dma_start3A_57 = tpu.memref_slice %arg2[%add3A, %mul3A_19, %dma_start3A_56] : memref<32x496x128xi32, #tpu.memory_space<hbm>> -> memref<1x16x128xi32, #tpu.memory_space<hbm>>
        %dma_start3A_58 = tpu.memref_squeeze %dma_start3A_57 : memref<1x16x128xi32, #tpu.memory_space<hbm>> -> memref<16x128xi32, #tpu.memory_space<hbm>>
        tpu.enqueue_dma source(%dma_start3A_58 : memref<16x128xi32, #tpu.memory_space<hbm>>) target(%arg5 : memref<16x128xi32, #tpu.memory_space<vmem>>) target_semaphore(%run_scoped3A_53 : memref<!tpu.dma_semaphore, #tpu.memory_space<semaphore_mem>>)
        %dma_wait3A = arith.constant 0 : i32
        %dma_wait3A_59 = tpu.memref_slice %arg2[%add3A, %mul3A_19, %dma_wait3A] : memref<32x496x128xi32, #tpu.memory_space<hbm>> -> memref<1x16x128xi32, #tpu.memory_space<hbm>>
        %dma_wait3A_60 = tpu.memref_squeeze %dma_wait3A_59 : memref<1x16x128xi32, #tpu.memory_space<hbm>> -> memref<16x128xi32, #tpu.memory_space<hbm>>
        %dma_wait3A_61 = arith.constant 0 : i32
        %dma_wait3A_62 = tpu.memref_slice %arg2[%add3A, %mul3A_19, %dma_wait3A_61] : memref<32x496x128xi32, #tpu.memory_space<hbm>> -> memref<1x16x128xi32, #tpu.memory_space<hbm>>
        %dma_wait3A_63 = tpu.memref_squeeze %dma_wait3A_62 : memref<1x16x128xi32, #tpu.memory_space<hbm>> -> memref<16x128xi32, #tpu.memory_space<hbm>>
        tpu.wait_dma2 semaphore(%run_scoped3A_53 : memref<!tpu.dma_semaphore, #tpu.memory_space<semaphore_mem>>) src(%dma_wait3A_63 : memref<16x128xi32, #tpu.memory_space<hbm>>) dst(%arg5 : memref<16x128xi32, #tpu.memory_space<vmem>>)
        tpu.yield
      }) : () -> ()
      %mul3A_20 = arith.constant 16 : i32
      %mul3A_21 = arith.muli %scan3A_17, %mul3A_20 : i32
      "tpu.region"() ({
        %run_scoped3A_53 = tpu.sem_alloc : memref<!tpu.dma_semaphore, #tpu.memory_space<semaphore_mem>>
        %dma_start3A = arith.constant 0 : i32
        %dma_start3A_54 = tpu.memref_slice %arg3[%add3A, %mul3A_21, %dma_start3A] : memref<32x496x128xf32, #tpu.memory_space<hbm>> -> memref<1x16x128xf32, #tpu.memory_space<hbm>>
        %dma_start3A_55 = tpu.memref_squeeze %dma_start3A_54 : memref<1x16x128xf32, #tpu.memory_space<hbm>> -> memref<16x128xf32, #tpu.memory_space<hbm>>
        %dma_start3A_56 = arith.constant 0 : i32
        %dma_start3A_57 = tpu.memref_slice %arg3[%add3A, %mul3A_21, %dma_start3A_56] : memref<32x496x128xf32, #tpu.memory_space<hbm>> -> memref<1x16x128xf32, #tpu.memory_space<hbm>>
        %dma_start3A_58 = tpu.memref_squeeze %dma_start3A_57 : memref<1x16x128xf32, #tpu.memory_space<hbm>> -> memref<16x128xf32, #tpu.memory_space<hbm>>
        tpu.enqueue_dma source(%dma_start3A_58 : memref<16x128xf32, #tpu.memory_space<hbm>>) target(%arg6 : memref<16x128xf32, #tpu.memory_space<vmem>>) target_semaphore(%run_scoped3A_53 : memref<!tpu.dma_semaphore, #tpu.memory_space<semaphore_mem>>)
        %dma_wait3A = arith.constant 0 : i32
        %dma_wait3A_59 = tpu.memref_slice %arg3[%add3A, %mul3A_21, %dma_wait3A] : memref<32x496x128xf32, #tpu.memory_space<hbm>> -> memref<1x16x128xf32, #tpu.memory_space<hbm>>
        %dma_wait3A_60 = tpu.memref_squeeze %dma_wait3A_59 : memref<1x16x128xf32, #tpu.memory_space<hbm>> -> memref<16x128xf32, #tpu.memory_space<hbm>>
        %dma_wait3A_61 = arith.constant 0 : i32
        %dma_wait3A_62 = tpu.memref_slice %arg3[%add3A, %mul3A_21, %dma_wait3A_61] : memref<32x496x128xf32, #tpu.memory_space<hbm>> -> memref<1x16x128xf32, #tpu.memory_space<hbm>>
        %dma_wait3A_63 = tpu.memref_squeeze %dma_wait3A_62 : memref<1x16x128xf32, #tpu.memory_space<hbm>> -> memref<16x128xf32, #tpu.memory_space<hbm>>
        tpu.wait_dma2 semaphore(%run_scoped3A_53 : memref<!tpu.dma_semaphore, #tpu.memory_space<semaphore_mem>>) src(%dma_wait3A_63 : memref<16x128xf32, #tpu.memory_space<hbm>>) dst(%arg6 : memref<16x128xf32, #tpu.memory_space<vmem>>)
        tpu.yield
      }) : () -> ()
      %run_scoped3A = arith.constant 0 : i32
      %run_scoped3A_22 = arith.constant 0 : i32
      "tpu.region"() ({
        %run_scoped3A_53 = tpu.sem_alloc : memref<!tpu.dma_semaphore, #tpu.memory_space<semaphore_mem>>
        %dma_start3A = arith.constant 0 : i32
        %dma_start3A_54 = tpu.memref_slice %arg6[%run_scoped3A, %dma_start3A] : memref<16x128xf32, #tpu.memory_space<vmem>> -> memref<1x128xf32, #tpu.memory_space<vmem>>
        %dma_start3A_55 = tpu.memref_squeeze %dma_start3A_54 : memref<1x128xf32, #tpu.memory_space<vmem>> -> memref<128xf32, #tpu.memory_space<vmem>>
        %dma_start3A_56 = arith.constant 0 : i32
        %dma_start3A_57 = tpu.memref_slice %arg5[%run_scoped3A_22, %dma_start3A_56] : memref<16x128xi32, #tpu.memory_space<vmem>> -> memref<1x128xi32, #tpu.memory_space<vmem>>
        %dma_start3A_58 = tpu.memref_squeeze %dma_start3A_57 : memref<1x128xi32, #tpu.memory_space<vmem>> -> memref<128xi32, #tpu.memory_space<vmem>>
        %dma_start3A_59 = arith.constant 0 : i32
        %dma_start3A_60 = tpu.memref_slice %arg8[%dma_start3A_59] : memref<1000448xf32, #tpu.memory_space<vmem_shared>> -> memref<1000448xf32, #tpu.memory_space<vmem_shared>>
        tpu.enqueue_indirect_dma source(%dma_start3A_55 : memref<128xf32, #tpu.memory_space<vmem>>) target(%dma_start3A_60 : memref<1000448xf32, #tpu.memory_space<vmem_shared>>) offsets(%dma_start3A_58 : memref<128xi32, #tpu.memory_space<vmem>>) semaphore(%run_scoped3A_53 : memref<!tpu.dma_semaphore, #tpu.memory_space<semaphore_mem>>) {add = true}
        %dma_wait3A = arith.constant 0 : i32
        %dma_wait3A_61 = tpu.memref_slice %arg6[%run_scoped3A, %dma_wait3A] : memref<16x128xf32, #tpu.memory_space<vmem>> -> memref<1x128xf32, #tpu.memory_space<vmem>>
        %dma_wait3A_62 = tpu.memref_squeeze %dma_wait3A_61 : memref<1x128xf32, #tpu.memory_space<vmem>> -> memref<128xf32, #tpu.memory_space<vmem>>
        %dma_wait3A_63 = arith.constant 0 : i32
        %dma_wait3A_64 = tpu.memref_slice %arg5[%run_scoped3A_22, %dma_wait3A_63] : memref<16x128xi32, #tpu.memory_space<vmem>> -> memref<1x128xi32, #tpu.memory_space<vmem>>
        %dma_wait3A_65 = tpu.memref_squeeze %dma_wait3A_64 : memref<1x128xi32, #tpu.memory_space<vmem>> -> memref<128xi32, #tpu.memory_space<vmem>>
        %dma_wait3A_66 = arith.constant 0 : i32
        %dma_wait3A_67 = tpu.memref_slice %arg8[%dma_wait3A_66] : memref<1000448xf32, #tpu.memory_space<vmem_shared>> -> memref<1000448xf32, #tpu.memory_space<vmem_shared>>
        tpu.wait_indirect_dma semaphore(%run_scoped3A_53 : memref<!tpu.dma_semaphore, #tpu.memory_space<semaphore_mem>>) src(%dma_wait3A_62 : memref<128xf32, #tpu.memory_space<vmem>>) dst(%dma_wait3A_67 : memref<1000448xf32, #tpu.memory_space<vmem_shared>>)
        tpu.yield
      }) : () -> ()
      %run_scoped3A_23 = arith.constant 1 : i32
      %run_scoped3A_24 = arith.constant 1 : i32
      "tpu.region"() ({
        %run_scoped3A_53 = tpu.sem_alloc : memref<!tpu.dma_semaphore, #tpu.memory_space<semaphore_mem>>
        %dma_start3A = arith.constant 0 : i32
        %dma_start3A_54 = tpu.memref_slice %arg6[%run_scoped3A_23, %dma_start3A] : memref<16x128xf32, #tpu.memory_space<vmem>> -> memref<1x128xf32, #tpu.memory_space<vmem>>
        %dma_start3A_55 = tpu.memref_squeeze %dma_start3A_54 : memref<1x128xf32, #tpu.memory_space<vmem>> -> memref<128xf32, #tpu.memory_space<vmem>>
        %dma_start3A_56 = arith.constant 0 : i32
        %dma_start3A_57 = tpu.memref_slice %arg5[%run_scoped3A_24, %dma_start3A_56] : memref<16x128xi32, #tpu.memory_space<vmem>> -> memref<1x128xi32, #tpu.memory_space<vmem>>
        %dma_start3A_58 = tpu.memref_squeeze %dma_start3A_57 : memref<1x128xi32, #tpu.memory_space<vmem>> -> memref<128xi32, #tpu.memory_space<vmem>>
        %dma_start3A_59 = arith.constant 0 : i32
        %dma_start3A_60 = tpu.memref_slice %arg8[%dma_start3A_59] : memref<1000448xf32, #tpu.memory_space<vmem_shared>> -> memref<1000448xf32, #tpu.memory_space<vmem_shared>>
        tpu.enqueue_indirect_dma source(%dma_start3A_55 : memref<128xf32, #tpu.memory_space<vmem>>) target(%dma_start3A_60 : memref<1000448xf32, #tpu.memory_space<vmem_shared>>) offsets(%dma_start3A_58 : memref<128xi32, #tpu.memory_space<vmem>>) semaphore(%run_scoped3A_53 : memref<!tpu.dma_semaphore, #tpu.memory_space<semaphore_mem>>) {add = true}
        %dma_wait3A = arith.constant 0 : i32
        %dma_wait3A_61 = tpu.memref_slice %arg6[%run_scoped3A_23, %dma_wait3A] : memref<16x128xf32, #tpu.memory_space<vmem>> -> memref<1x128xf32, #tpu.memory_space<vmem>>
        %dma_wait3A_62 = tpu.memref_squeeze %dma_wait3A_61 : memref<1x128xf32, #tpu.memory_space<vmem>> -> memref<128xf32, #tpu.memory_space<vmem>>
        %dma_wait3A_63 = arith.constant 0 : i32
        %dma_wait3A_64 = tpu.memref_slice %arg5[%run_scoped3A_24, %dma_wait3A_63] : memref<16x128xi32, #tpu.memory_space<vmem>> -> memref<1x128xi32, #tpu.memory_space<vmem>>
        %dma_wait3A_65 = tpu.memref_squeeze %dma_wait3A_64 : memref<1x128xi32, #tpu.memory_space<vmem>> -> memref<128xi32, #tpu.memory_space<vmem>>
        %dma_wait3A_66 = arith.constant 0 : i32
        %dma_wait3A_67 = tpu.memref_slice %arg8[%dma_wait3A_66] : memref<1000448xf32, #tpu.memory_space<vmem_shared>> -> memref<1000448xf32, #tpu.memory_space<vmem_shared>>
        tpu.wait_indirect_dma semaphore(%run_scoped3A_53 : memref<!tpu.dma_semaphore, #tpu.memory_space<semaphore_mem>>) src(%dma_wait3A_62 : memref<128xf32, #tpu.memory_space<vmem>>) dst(%dma_wait3A_67 : memref<1000448xf32, #tpu.memory_space<vmem_shared>>)
        tpu.yield
      }) : () -> ()
      %run_scoped3A_25 = arith.constant 2 : i32
      %run_scoped3A_26 = arith.constant 2 : i32
      "tpu.region"() ({
        %run_scoped3A_53 = tpu.sem_alloc : memref<!tpu.dma_semaphore, #tpu.memory_space<semaphore_mem>>
        %dma_start3A = arith.constant 0 : i32
        %dma_start3A_54 = tpu.memref_slice %arg6[%run_scoped3A_25, %dma_start3A] : memref<16x128xf32, #tpu.memory_space<vmem>> -> memref<1x128xf32, #tpu.memory_space<vmem>>
        %dma_start3A_55 = tpu.memref_squeeze %dma_start3A_54 : memref<1x128xf32, #tpu.memory_space<vmem>> -> memref<128xf32, #tpu.memory_space<vmem>>
        %dma_start3A_56 = arith.constant 0 : i32
        %dma_start3A_57 = tpu.memref_slice %arg5[%run_scoped3A_26, %dma_start3A_56] : memref<16x128xi32, #tpu.memory_space<vmem>> -> memref<1x128xi32, #tpu.memory_space<vmem>>
        %dma_start3A_58 = tpu.memref_squeeze %dma_start3A_57 : memref<1x128xi32, #tpu.memory_space<vmem>> -> memref<128xi32, #tpu.memory_space<vmem>>
        %dma_start3A_59 = arith.constant 0 : i32
        %dma_start3A_60 = tpu.memref_slice %arg8[%dma_start3A_59] : memref<1000448xf32, #tpu.memory_space<vmem_shared>> -> memref<1000448xf32, #tpu.memory_space<vmem_shared>>
        tpu.enqueue_indirect_dma source(%dma_start3A_55 : memref<128xf32, #tpu.memory_space<vmem>>) target(%dma_start3A_60 : memref<1000448xf32, #tpu.memory_space<vmem_shared>>) offsets(%dma_start3A_58 : memref<128xi32, #tpu.memory_space<vmem>>) semaphore(%run_scoped3A_53 : memref<!tpu.dma_semaphore, #tpu.memory_space<semaphore_mem>>) {add = true}
        %dma_wait3A = arith.constant 0 : i32
        %dma_wait3A_61 = tpu.memref_slice %arg6[%run_scoped3A_25, %dma_wait3A] : memref<16x128xf32, #tpu.memory_space<vmem>> -> memref<1x128xf32, #tpu.memory_space<vmem>>
        %dma_wait3A_62 = tpu.memref_squeeze %dma_wait3A_61 : memref<1x128xf32, #tpu.memory_space<vmem>> -> memref<128xf32, #tpu.memory_space<vmem>>
        %dma_wait3A_63 = arith.constant 0 : i32
        %dma_wait3A_64 = tpu.memref_slice %arg5[%run_scoped3A_26, %dma_wait3A_63] : memref<16x128xi32, #tpu.memory_space<vmem>> -> memref<1x128xi32, #tpu.memory_space<vmem>>
        %dma_wait3A_65 = tpu.memref_squeeze %dma_wait3A_64 : memref<1x128xi32, #tpu.memory_space<vmem>> -> memref<128xi32, #tpu.memory_space<vmem>>
        %dma_wait3A_66 = arith.constant 0 : i32
        %dma_wait3A_67 = tpu.memref_slice %arg8[%dma_wait3A_66] : memref<1000448xf32, #tpu.memory_space<vmem_shared>> -> memref<1000448xf32, #tpu.memory_space<vmem_shared>>
        tpu.wait_indirect_dma semaphore(%run_scoped3A_53 : memref<!tpu.dma_semaphore, #tpu.memory_space<semaphore_mem>>) src(%dma_wait3A_62 : memref<128xf32, #tpu.memory_space<vmem>>) dst(%dma_wait3A_67 : memref<1000448xf32, #tpu.memory_space<vmem_shared>>)
        tpu.yield
      }) : () -> ()
      %run_scoped3A_27 = arith.constant 3 : i32
      %run_scoped3A_28 = arith.constant 3 : i32
      "tpu.region"() ({
        %run_scoped3A_53 = tpu.sem_alloc : memref<!tpu.dma_semaphore, #tpu.memory_space<semaphore_mem>>
        %dma_start3A = arith.constant 0 : i32
        %dma_start3A_54 = tpu.memref_slice %arg6[%run_scoped3A_27, %dma_start3A] : memref<16x128xf32, #tpu.memory_space<vmem>> -> memref<1x128xf32, #tpu.memory_space<vmem>>
        %dma_start3A_55 = tpu.memref_squeeze %dma_start3A_54 : memref<1x128xf32, #tpu.memory_space<vmem>> -> memref<128xf32, #tpu.memory_space<vmem>>
        %dma_start3A_56 = arith.constant 0 : i32
        %dma_start3A_57 = tpu.memref_slice %arg5[%run_scoped3A_28, %dma_start3A_56] : memref<16x128xi32, #tpu.memory_space<vmem>> -> memref<1x128xi32, #tpu.memory_space<vmem>>
        %dma_start3A_58 = tpu.memref_squeeze %dma_start3A_57 : memref<1x128xi32, #tpu.memory_space<vmem>> -> memref<128xi32, #tpu.memory_space<vmem>>
        %dma_start3A_59 = arith.constant 0 : i32
        %dma_start3A_60 = tpu.memref_slice %arg8[%dma_start3A_59] : memref<1000448xf32, #tpu.memory_space<vmem_shared>> -> memref<1000448xf32, #tpu.memory_space<vmem_shared>>
        tpu.enqueue_indirect_dma source(%dma_start3A_55 : memref<128xf32, #tpu.memory_space<vmem>>) target(%dma_start3A_60 : memref<1000448xf32, #tpu.memory_space<vmem_shared>>) offsets(%dma_start3A_58 : memref<128xi32, #tpu.memory_space<vmem>>) semaphore(%run_scoped3A_53 : memref<!tpu.dma_semaphore, #tpu.memory_space<semaphore_mem>>) {add = true}
        %dma_wait3A = arith.constant 0 : i32
        %dma_wait3A_61 = tpu.memref_slice %arg6[%run_scoped3A_27, %dma_wait3A] : memref<16x128xf32, #tpu.memory_space<vmem>> -> memref<1x128xf32, #tpu.memory_space<vmem>>
        %dma_wait3A_62 = tpu.memref_squeeze %dma_wait3A_61 : memref<1x128xf32, #tpu.memory_space<vmem>> -> memref<128xf32, #tpu.memory_space<vmem>>
        %dma_wait3A_63 = arith.constant 0 : i32
        %dma_wait3A_64 = tpu.memref_slice %arg5[%run_scoped3A_28, %dma_wait3A_63] : memref<16x128xi32, #tpu.memory_space<vmem>> -> memref<1x128xi32, #tpu.memory_space<vmem>>
        %dma_wait3A_65 = tpu.memref_squeeze %dma_wait3A_64 : memref<1x128xi32, #tpu.memory_space<vmem>> -> memref<128xi32, #tpu.memory_space<vmem>>
        %dma_wait3A_66 = arith.constant 0 : i32
        %dma_wait3A_67 = tpu.memref_slice %arg8[%dma_wait3A_66] : memref<1000448xf32, #tpu.memory_space<vmem_shared>> -> memref<1000448xf32, #tpu.memory_space<vmem_shared>>
        tpu.wait_indirect_dma semaphore(%run_scoped3A_53 : memref<!tpu.dma_semaphore, #tpu.memory_space<semaphore_mem>>) src(%dma_wait3A_62 : memref<128xf32, #tpu.memory_space<vmem>>) dst(%dma_wait3A_67 : memref<1000448xf32, #tpu.memory_space<vmem_shared>>)
        tpu.yield
      }) : () -> ()
      %run_scoped3A_29 = arith.constant 4 : i32
      %run_scoped3A_30 = arith.constant 4 : i32
      "tpu.region"() ({
        %run_scoped3A_53 = tpu.sem_alloc : memref<!tpu.dma_semaphore, #tpu.memory_space<semaphore_mem>>
        %dma_start3A = arith.constant 0 : i32
        %dma_start3A_54 = tpu.memref_slice %arg6[%run_scoped3A_29, %dma_start3A] : memref<16x128xf32, #tpu.memory_space<vmem>> -> memref<1x128xf32, #tpu.memory_space<vmem>>
        %dma_start3A_55 = tpu.memref_squeeze %dma_start3A_54 : memref<1x128xf32, #tpu.memory_space<vmem>> -> memref<128xf32, #tpu.memory_space<vmem>>
        %dma_start3A_56 = arith.constant 0 : i32
        %dma_start3A_57 = tpu.memref_slice %arg5[%run_scoped3A_30, %dma_start3A_56] : memref<16x128xi32, #tpu.memory_space<vmem>> -> memref<1x128xi32, #tpu.memory_space<vmem>>
        %dma_start3A_58 = tpu.memref_squeeze %dma_start3A_57 : memref<1x128xi32, #tpu.memory_space<vmem>> -> memref<128xi32, #tpu.memory_space<vmem>>
        %dma_start3A_59 = arith.constant 0 : i32
        %dma_start3A_60 = tpu.memref_slice %arg8[%dma_start3A_59] : memref<1000448xf32, #tpu.memory_space<vmem_shared>> -> memref<1000448xf32, #tpu.memory_space<vmem_shared>>
        tpu.enqueue_indirect_dma source(%dma_start3A_55 : memref<128xf32, #tpu.memory_space<vmem>>) target(%dma_start3A_60 : memref<1000448xf32, #tpu.memory_space<vmem_shared>>) offsets(%dma_start3A_58 : memref<128xi32, #tpu.memory_space<vmem>>) semaphore(%run_scoped3A_53 : memref<!tpu.dma_semaphore, #tpu.memory_space<semaphore_mem>>) {add = true}
        %dma_wait3A = arith.constant 0 : i32
        %dma_wait3A_61 = tpu.memref_slice %arg6[%run_scoped3A_29, %dma_wait3A] : memref<16x128xf32, #tpu.memory_space<vmem>> -> memref<1x128xf32, #tpu.memory_space<vmem>>
        %dma_wait3A_62 = tpu.memref_squeeze %dma_wait3A_61 : memref<1x128xf32, #tpu.memory_space<vmem>> -> memref<128xf32, #tpu.memory_space<vmem>>
        %dma_wait3A_63 = arith.constant 0 : i32
        %dma_wait3A_64 = tpu.memref_slice %arg5[%run_scoped3A_30, %dma_wait3A_63] : memref<16x128xi32, #tpu.memory_space<vmem>> -> memref<1x128xi32, #tpu.memory_space<vmem>>
        %dma_wait3A_65 = tpu.memref_squeeze %dma_wait3A_64 : memref<1x128xi32, #tpu.memory_space<vmem>> -> memref<128xi32, #tpu.memory_space<vmem>>
        %dma_wait3A_66 = arith.constant 0 : i32
        %dma_wait3A_67 = tpu.memref_slice %arg8[%dma_wait3A_66] : memref<1000448xf32, #tpu.memory_space<vmem_shared>> -> memref<1000448xf32, #tpu.memory_space<vmem_shared>>
        tpu.wait_indirect_dma semaphore(%run_scoped3A_53 : memref<!tpu.dma_semaphore, #tpu.memory_space<semaphore_mem>>) src(%dma_wait3A_62 : memref<128xf32, #tpu.memory_space<vmem>>) dst(%dma_wait3A_67 : memref<1000448xf32, #tpu.memory_space<vmem_shared>>)
        tpu.yield
      }) : () -> ()
      %run_scoped3A_31 = arith.constant 5 : i32
      %run_scoped3A_32 = arith.constant 5 : i32
      "tpu.region"() ({
        %run_scoped3A_53 = tpu.sem_alloc : memref<!tpu.dma_semaphore, #tpu.memory_space<semaphore_mem>>
        %dma_start3A = arith.constant 0 : i32
        %dma_start3A_54 = tpu.memref_slice %arg6[%run_scoped3A_31, %dma_start3A] : memref<16x128xf32, #tpu.memory_space<vmem>> -> memref<1x128xf32, #tpu.memory_space<vmem>>
        %dma_start3A_55 = tpu.memref_squeeze %dma_start3A_54 : memref<1x128xf32, #tpu.memory_space<vmem>> -> memref<128xf32, #tpu.memory_space<vmem>>
        %dma_start3A_56 = arith.constant 0 : i32
        %dma_start3A_57 = tpu.memref_slice %arg5[%run_scoped3A_32, %dma_start3A_56] : memref<16x128xi32, #tpu.memory_space<vmem>> -> memref<1x128xi32, #tpu.memory_space<vmem>>
        %dma_start3A_58 = tpu.memref_squeeze %dma_start3A_57 : memref<1x128xi32, #tpu.memory_space<vmem>> -> memref<128xi32, #tpu.memory_space<vmem>>
        %dma_start3A_59 = arith.constant 0 : i32
        %dma_start3A_60 = tpu.memref_slice %arg8[%dma_start3A_59] : memref<1000448xf32, #tpu.memory_space<vmem_shared>> -> memref<1000448xf32, #tpu.memory_space<vmem_shared>>
        tpu.enqueue_indirect_dma source(%dma_start3A_55 : memref<128xf32, #tpu.memory_space<vmem>>) target(%dma_start3A_60 : memref<1000448xf32, #tpu.memory_space<vmem_shared>>) offsets(%dma_start3A_58 : memref<128xi32, #tpu.memory_space<vmem>>) semaphore(%run_scoped3A_53 : memref<!tpu.dma_semaphore, #tpu.memory_space<semaphore_mem>>) {add = true}
        %dma_wait3A = arith.constant 0 : i32
        %dma_wait3A_61 = tpu.memref_slice %arg6[%run_scoped3A_31, %dma_wait3A] : memref<16x128xf32, #tpu.memory_space<vmem>> -> memref<1x128xf32, #tpu.memory_space<vmem>>
        %dma_wait3A_62 = tpu.memref_squeeze %dma_wait3A_61 : memref<1x128xf32, #tpu.memory_space<vmem>> -> memref<128xf32, #tpu.memory_space<vmem>>
        %dma_wait3A_63 = arith.constant 0 : i32
        %dma_wait3A_64 = tpu.memref_slice %arg5[%run_scoped3A_32, %dma_wait3A_63] : memref<16x128xi32, #tpu.memory_space<vmem>> -> memref<1x128xi32, #tpu.memory_space<vmem>>
        %dma_wait3A_65 = tpu.memref_squeeze %dma_wait3A_64 : memref<1x128xi32, #tpu.memory_space<vmem>> -> memref<128xi32, #tpu.memory_space<vmem>>
        %dma_wait3A_66 = arith.constant 0 : i32
        %dma_wait3A_67 = tpu.memref_slice %arg8[%dma_wait3A_66] : memref<1000448xf32, #tpu.memory_space<vmem_shared>> -> memref<1000448xf32, #tpu.memory_space<vmem_shared>>
        tpu.wait_indirect_dma semaphore(%run_scoped3A_53 : memref<!tpu.dma_semaphore, #tpu.memory_space<semaphore_mem>>) src(%dma_wait3A_62 : memref<128xf32, #tpu.memory_space<vmem>>) dst(%dma_wait3A_67 : memref<1000448xf32, #tpu.memory_space<vmem_shared>>)
        tpu.yield
      }) : () -> ()
      %run_scoped3A_33 = arith.constant 6 : i32
      %run_scoped3A_34 = arith.constant 6 : i32
      "tpu.region"() ({
        %run_scoped3A_53 = tpu.sem_alloc : memref<!tpu.dma_semaphore, #tpu.memory_space<semaphore_mem>>
        %dma_start3A = arith.constant 0 : i32
        %dma_start3A_54 = tpu.memref_slice %arg6[%run_scoped3A_33, %dma_start3A] : memref<16x128xf32, #tpu.memory_space<vmem>> -> memref<1x128xf32, #tpu.memory_space<vmem>>
        %dma_start3A_55 = tpu.memref_squeeze %dma_start3A_54 : memref<1x128xf32, #tpu.memory_space<vmem>> -> memref<128xf32, #tpu.memory_space<vmem>>
        %dma_start3A_56 = arith.constant 0 : i32
        %dma_start3A_57 = tpu.memref_slice %arg5[%run_scoped3A_34, %dma_start3A_56] : memref<16x128xi32, #tpu.memory_space<vmem>> -> memref<1x128xi32, #tpu.memory_space<vmem>>
        %dma_start3A_58 = tpu.memref_squeeze %dma_start3A_57 : memref<1x128xi32, #tpu.memory_space<vmem>> -> memref<128xi32, #tpu.memory_space<vmem>>
        %dma_start3A_59 = arith.constant 0 : i32
        %dma_start3A_60 = tpu.memref_slice %arg8[%dma_start3A_59] : memref<1000448xf32, #tpu.memory_space<vmem_shared>> -> memref<1000448xf32, #tpu.memory_space<vmem_shared>>
        tpu.enqueue_indirect_dma source(%dma_start3A_55 : memref<128xf32, #tpu.memory_space<vmem>>) target(%dma_start3A_60 : memref<1000448xf32, #tpu.memory_space<vmem_shared>>) offsets(%dma_start3A_58 : memref<128xi32, #tpu.memory_space<vmem>>) semaphore(%run_scoped3A_53 : memref<!tpu.dma_semaphore, #tpu.memory_space<semaphore_mem>>) {add = true}
        %dma_wait3A = arith.constant 0 : i32
        %dma_wait3A_61 = tpu.memref_slice %arg6[%run_scoped3A_33, %dma_wait3A] : memref<16x128xf32, #tpu.memory_space<vmem>> -> memref<1x128xf32, #tpu.memory_space<vmem>>
        %dma_wait3A_62 = tpu.memref_squeeze %dma_wait3A_61 : memref<1x128xf32, #tpu.memory_space<vmem>> -> memref<128xf32, #tpu.memory_space<vmem>>
        %dma_wait3A_63 = arith.constant 0 : i32
        %dma_wait3A_64 = tpu.memref_slice %arg5[%run_scoped3A_34, %dma_wait3A_63] : memref<16x128xi32, #tpu.memory_space<vmem>> -> memref<1x128xi32, #tpu.memory_space<vmem>>
        %dma_wait3A_65 = tpu.memref_squeeze %dma_wait3A_64 : memref<1x128xi32, #tpu.memory_space<vmem>> -> memref<128xi32, #tpu.memory_space<vmem>>
        %dma_wait3A_66 = arith.constant 0 : i32
        %dma_wait3A_67 = tpu.memref_slice %arg8[%dma_wait3A_66] : memref<1000448xf32, #tpu.memory_space<vmem_shared>> -> memref<1000448xf32, #tpu.memory_space<vmem_shared>>
        tpu.wait_indirect_dma semaphore(%run_scoped3A_53 : memref<!tpu.dma_semaphore, #tpu.memory_space<semaphore_mem>>) src(%dma_wait3A_62 : memref<128xf32, #tpu.memory_space<vmem>>) dst(%dma_wait3A_67 : memref<1000448xf32, #tpu.memory_space<vmem_shared>>)
        tpu.yield
      }) : () -> ()
      %run_scoped3A_35 = arith.constant 7 : i32
      %run_scoped3A_36 = arith.constant 7 : i32
      "tpu.region"() ({
        %run_scoped3A_53 = tpu.sem_alloc : memref<!tpu.dma_semaphore, #tpu.memory_space<semaphore_mem>>
        %dma_start3A = arith.constant 0 : i32
        %dma_start3A_54 = tpu.memref_slice %arg6[%run_scoped3A_35, %dma_start3A] : memref<16x128xf32, #tpu.memory_space<vmem>> -> memref<1x128xf32, #tpu.memory_space<vmem>>
        %dma_start3A_55 = tpu.memref_squeeze %dma_start3A_54 : memref<1x128xf32, #tpu.memory_space<vmem>> -> memref<128xf32, #tpu.memory_space<vmem>>
        %dma_start3A_56 = arith.constant 0 : i32
        %dma_start3A_57 = tpu.memref_slice %arg5[%run_scoped3A_36, %dma_start3A_56] : memref<16x128xi32, #tpu.memory_space<vmem>> -> memref<1x128xi32, #tpu.memory_space<vmem>>
        %dma_start3A_58 = tpu.memref_squeeze %dma_start3A_57 : memref<1x128xi32, #tpu.memory_space<vmem>> -> memref<128xi32, #tpu.memory_space<vmem>>
        %dma_start3A_59 = arith.constant 0 : i32
        %dma_start3A_60 = tpu.memref_slice %arg8[%dma_start3A_59] : memref<1000448xf32, #tpu.memory_space<vmem_shared>> -> memref<1000448xf32, #tpu.memory_space<vmem_shared>>
        tpu.enqueue_indirect_dma source(%dma_start3A_55 : memref<128xf32, #tpu.memory_space<vmem>>) target(%dma_start3A_60 : memref<1000448xf32, #tpu.memory_space<vmem_shared>>) offsets(%dma_start3A_58 : memref<128xi32, #tpu.memory_space<vmem>>) semaphore(%run_scoped3A_53 : memref<!tpu.dma_semaphore, #tpu.memory_space<semaphore_mem>>) {add = true}
        %dma_wait3A = arith.constant 0 : i32
        %dma_wait3A_61 = tpu.memref_slice %arg6[%run_scoped3A_35, %dma_wait3A] : memref<16x128xf32, #tpu.memory_space<vmem>> -> memref<1x128xf32, #tpu.memory_space<vmem>>
        %dma_wait3A_62 = tpu.memref_squeeze %dma_wait3A_61 : memref<1x128xf32, #tpu.memory_space<vmem>> -> memref<128xf32, #tpu.memory_space<vmem>>
        %dma_wait3A_63 = arith.constant 0 : i32
        %dma_wait3A_64 = tpu.memref_slice %arg5[%run_scoped3A_36, %dma_wait3A_63] : memref<16x128xi32, #tpu.memory_space<vmem>> -> memref<1x128xi32, #tpu.memory_space<vmem>>
        %dma_wait3A_65 = tpu.memref_squeeze %dma_wait3A_64 : memref<1x128xi32, #tpu.memory_space<vmem>> -> memref<128xi32, #tpu.memory_space<vmem>>
        %dma_wait3A_66 = arith.constant 0 : i32
        %dma_wait3A_67 = tpu.memref_slice %arg8[%dma_wait3A_66] : memref<1000448xf32, #tpu.memory_space<vmem_shared>> -> memref<1000448xf32, #tpu.memory_space<vmem_shared>>
        tpu.wait_indirect_dma semaphore(%run_scoped3A_53 : memref<!tpu.dma_semaphore, #tpu.memory_space<semaphore_mem>>) src(%dma_wait3A_62 : memref<128xf32, #tpu.memory_space<vmem>>) dst(%dma_wait3A_67 : memref<1000448xf32, #tpu.memory_space<vmem_shared>>)
        tpu.yield
      }) : () -> ()
      %run_scoped3A_37 = arith.constant 8 : i32
      %run_scoped3A_38 = arith.constant 8 : i32
      "tpu.region"() ({
        %run_scoped3A_53 = tpu.sem_alloc : memref<!tpu.dma_semaphore, #tpu.memory_space<semaphore_mem>>
        %dma_start3A = arith.constant 0 : i32
        %dma_start3A_54 = tpu.memref_slice %arg6[%run_scoped3A_37, %dma_start3A] : memref<16x128xf32, #tpu.memory_space<vmem>> -> memref<1x128xf32, #tpu.memory_space<vmem>>
        %dma_start3A_55 = tpu.memref_squeeze %dma_start3A_54 : memref<1x128xf32, #tpu.memory_space<vmem>> -> memref<128xf32, #tpu.memory_space<vmem>>
        %dma_start3A_56 = arith.constant 0 : i32
        %dma_start3A_57 = tpu.memref_slice %arg5[%run_scoped3A_38, %dma_start3A_56] : memref<16x128xi32, #tpu.memory_space<vmem>> -> memref<1x128xi32, #tpu.memory_space<vmem>>
        %dma_start3A_58 = tpu.memref_squeeze %dma_start3A_57 : memref<1x128xi32, #tpu.memory_space<vmem>> -> memref<128xi32, #tpu.memory_space<vmem>>
        %dma_start3A_59 = arith.constant 0 : i32
        %dma_start3A_60 = tpu.memref_slice %arg8[%dma_start3A_59] : memref<1000448xf32, #tpu.memory_space<vmem_shared>> -> memref<1000448xf32, #tpu.memory_space<vmem_shared>>
        tpu.enqueue_indirect_dma source(%dma_start3A_55 : memref<128xf32, #tpu.memory_space<vmem>>) target(%dma_start3A_60 : memref<1000448xf32, #tpu.memory_space<vmem_shared>>) offsets(%dma_start3A_58 : memref<128xi32, #tpu.memory_space<vmem>>) semaphore(%run_scoped3A_53 : memref<!tpu.dma_semaphore, #tpu.memory_space<semaphore_mem>>) {add = true}
        %dma_wait3A = arith.constant 0 : i32
        %dma_wait3A_61 = tpu.memref_slice %arg6[%run_scoped3A_37, %dma_wait3A] : memref<16x128xf32, #tpu.memory_space<vmem>> -> memref<1x128xf32, #tpu.memory_space<vmem>>
        %dma_wait3A_62 = tpu.memref_squeeze %dma_wait3A_61 : memref<1x128xf32, #tpu.memory_space<vmem>> -> memref<128xf32, #tpu.memory_space<vmem>>
        %dma_wait3A_63 = arith.constant 0 : i32
        %dma_wait3A_64 = tpu.memref_slice %arg5[%run_scoped3A_38, %dma_wait3A_63] : memref<16x128xi32, #tpu.memory_space<vmem>> -> memref<1x128xi32, #tpu.memory_space<vmem>>
        %dma_wait3A_65 = tpu.memref_squeeze %dma_wait3A_64 : memref<1x128xi32, #tpu.memory_space<vmem>> -> memref<128xi32, #tpu.memory_space<vmem>>
        %dma_wait3A_66 = arith.constant 0 : i32
        %dma_wait3A_67 = tpu.memref_slice %arg8[%dma_wait3A_66] : memref<1000448xf32, #tpu.memory_space<vmem_shared>> -> memref<1000448xf32, #tpu.memory_space<vmem_shared>>
        tpu.wait_indirect_dma semaphore(%run_scoped3A_53 : memref<!tpu.dma_semaphore, #tpu.memory_space<semaphore_mem>>) src(%dma_wait3A_62 : memref<128xf32, #tpu.memory_space<vmem>>) dst(%dma_wait3A_67 : memref<1000448xf32, #tpu.memory_space<vmem_shared>>)
        tpu.yield
      }) : () -> ()
      %run_scoped3A_39 = arith.constant 9 : i32
      %run_scoped3A_40 = arith.constant 9 : i32
      "tpu.region"() ({
        %run_scoped3A_53 = tpu.sem_alloc : memref<!tpu.dma_semaphore, #tpu.memory_space<semaphore_mem>>
        %dma_start3A = arith.constant 0 : i32
        %dma_start3A_54 = tpu.memref_slice %arg6[%run_scoped3A_39, %dma_start3A] : memref<16x128xf32, #tpu.memory_space<vmem>> -> memref<1x128xf32, #tpu.memory_space<vmem>>
        %dma_start3A_55 = tpu.memref_squeeze %dma_start3A_54 : memref<1x128xf32, #tpu.memory_space<vmem>> -> memref<128xf32, #tpu.memory_space<vmem>>
        %dma_start3A_56 = arith.constant 0 : i32
        %dma_start3A_57 = tpu.memref_slice %arg5[%run_scoped3A_40, %dma_start3A_56] : memref<16x128xi32, #tpu.memory_space<vmem>> -> memref<1x128xi32, #tpu.memory_space<vmem>>
        %dma_start3A_58 = tpu.memref_squeeze %dma_start3A_57 : memref<1x128xi32, #tpu.memory_space<vmem>> -> memref<128xi32, #tpu.memory_space<vmem>>
        %dma_start3A_59 = arith.constant 0 : i32
        %dma_start3A_60 = tpu.memref_slice %arg8[%dma_start3A_59] : memref<1000448xf32, #tpu.memory_space<vmem_shared>> -> memref<1000448xf32, #tpu.memory_space<vmem_shared>>
        tpu.enqueue_indirect_dma source(%dma_start3A_55 : memref<128xf32, #tpu.memory_space<vmem>>) target(%dma_start3A_60 : memref<1000448xf32, #tpu.memory_space<vmem_shared>>) offsets(%dma_start3A_58 : memref<128xi32, #tpu.memory_space<vmem>>) semaphore(%run_scoped3A_53 : memref<!tpu.dma_semaphore, #tpu.memory_space<semaphore_mem>>) {add = true}
        %dma_wait3A = arith.constant 0 : i32
        %dma_wait3A_61 = tpu.memref_slice %arg6[%run_scoped3A_39, %dma_wait3A] : memref<16x128xf32, #tpu.memory_space<vmem>> -> memref<1x128xf32, #tpu.memory_space<vmem>>
        %dma_wait3A_62 = tpu.memref_squeeze %dma_wait3A_61 : memref<1x128xf32, #tpu.memory_space<vmem>> -> memref<128xf32, #tpu.memory_space<vmem>>
        %dma_wait3A_63 = arith.constant 0 : i32
        %dma_wait3A_64 = tpu.memref_slice %arg5[%run_scoped3A_40, %dma_wait3A_63] : memref<16x128xi32, #tpu.memory_space<vmem>> -> memref<1x128xi32, #tpu.memory_space<vmem>>
        %dma_wait3A_65 = tpu.memref_squeeze %dma_wait3A_64 : memref<1x128xi32, #tpu.memory_space<vmem>> -> memref<128xi32, #tpu.memory_space<vmem>>
        %dma_wait3A_66 = arith.constant 0 : i32
        %dma_wait3A_67 = tpu.memref_slice %arg8[%dma_wait3A_66] : memref<1000448xf32, #tpu.memory_space<vmem_shared>> -> memref<1000448xf32, #tpu.memory_space<vmem_shared>>
        tpu.wait_indirect_dma semaphore(%run_scoped3A_53 : memref<!tpu.dma_semaphore, #tpu.memory_space<semaphore_mem>>) src(%dma_wait3A_62 : memref<128xf32, #tpu.memory_space<vmem>>) dst(%dma_wait3A_67 : memref<1000448xf32, #tpu.memory_space<vmem_shared>>)
        tpu.yield
      }) : () -> ()
      %run_scoped3A_41 = arith.constant 10 : i32
      %run_scoped3A_42 = arith.constant 10 : i32
      "tpu.region"() ({
        %run_scoped3A_53 = tpu.sem_alloc : memref<!tpu.dma_semaphore, #tpu.memory_space<semaphore_mem>>
        %dma_start3A = arith.constant 0 : i32
        %dma_start3A_54 = tpu.memref_slice %arg6[%run_scoped3A_41, %dma_start3A] : memref<16x128xf32, #tpu.memory_space<vmem>> -> memref<1x128xf32, #tpu.memory_space<vmem>>
        %dma_start3A_55 = tpu.memref_squeeze %dma_start3A_54 : memref<1x128xf32, #tpu.memory_space<vmem>> -> memref<128xf32, #tpu.memory_space<vmem>>
        %dma_start3A_56 = arith.constant 0 : i32
        %dma_start3A_57 = tpu.memref_slice %arg5[%run_scoped3A_42, %dma_start3A_56] : memref<16x128xi32, #tpu.memory_space<vmem>> -> memref<1x128xi32, #tpu.memory_space<vmem>>
        %dma_start3A_58 = tpu.memref_squeeze %dma_start3A_57 : memref<1x128xi32, #tpu.memory_space<vmem>> -> memref<128xi32, #tpu.memory_space<vmem>>
        %dma_start3A_59 = arith.constant 0 : i32
        %dma_start3A_60 = tpu.memref_slice %arg8[%dma_start3A_59] : memref<1000448xf32, #tpu.memory_space<vmem_shared>> -> memref<1000448xf32, #tpu.memory_space<vmem_shared>>
        tpu.enqueue_indirect_dma source(%dma_start3A_55 : memref<128xf32, #tpu.memory_space<vmem>>) target(%dma_start3A_60 : memref<1000448xf32, #tpu.memory_space<vmem_shared>>) offsets(%dma_start3A_58 : memref<128xi32, #tpu.memory_space<vmem>>) semaphore(%run_scoped3A_53 : memref<!tpu.dma_semaphore, #tpu.memory_space<semaphore_mem>>) {add = true}
        %dma_wait3A = arith.constant 0 : i32
        %dma_wait3A_61 = tpu.memref_slice %arg6[%run_scoped3A_41, %dma_wait3A] : memref<16x128xf32, #tpu.memory_space<vmem>> -> memref<1x128xf32, #tpu.memory_space<vmem>>
        %dma_wait3A_62 = tpu.memref_squeeze %dma_wait3A_61 : memref<1x128xf32, #tpu.memory_space<vmem>> -> memref<128xf32, #tpu.memory_space<vmem>>
        %dma_wait3A_63 = arith.constant 0 : i32
        %dma_wait3A_64 = tpu.memref_slice %arg5[%run_scoped3A_42, %dma_wait3A_63] : memref<16x128xi32, #tpu.memory_space<vmem>> -> memref<1x128xi32, #tpu.memory_space<vmem>>
        %dma_wait3A_65 = tpu.memref_squeeze %dma_wait3A_64 : memref<1x128xi32, #tpu.memory_space<vmem>> -> memref<128xi32, #tpu.memory_space<vmem>>
        %dma_wait3A_66 = arith.constant 0 : i32
        %dma_wait3A_67 = tpu.memref_slice %arg8[%dma_wait3A_66] : memref<1000448xf32, #tpu.memory_space<vmem_shared>> -> memref<1000448xf32, #tpu.memory_space<vmem_shared>>
        tpu.wait_indirect_dma semaphore(%run_scoped3A_53 : memref<!tpu.dma_semaphore, #tpu.memory_space<semaphore_mem>>) src(%dma_wait3A_62 : memref<128xf32, #tpu.memory_space<vmem>>) dst(%dma_wait3A_67 : memref<1000448xf32, #tpu.memory_space<vmem_shared>>)
        tpu.yield
      }) : () -> ()
      %run_scoped3A_43 = arith.constant 11 : i32
      %run_scoped3A_44 = arith.constant 11 : i32
      "tpu.region"() ({
        %run_scoped3A_53 = tpu.sem_alloc : memref<!tpu.dma_semaphore, #tpu.memory_space<semaphore_mem>>
        %dma_start3A = arith.constant 0 : i32
        %dma_start3A_54 = tpu.memref_slice %arg6[%run_scoped3A_43, %dma_start3A] : memref<16x128xf32, #tpu.memory_space<vmem>> -> memref<1x128xf32, #tpu.memory_space<vmem>>
        %dma_start3A_55 = tpu.memref_squeeze %dma_start3A_54 : memref<1x128xf32, #tpu.memory_space<vmem>> -> memref<128xf32, #tpu.memory_space<vmem>>
        %dma_start3A_56 = arith.constant 0 : i32
        %dma_start3A_57 = tpu.memref_slice %arg5[%run_scoped3A_44, %dma_start3A_56] : memref<16x128xi32, #tpu.memory_space<vmem>> -> memref<1x128xi32, #tpu.memory_space<vmem>>
        %dma_start3A_58 = tpu.memref_squeeze %dma_start3A_57 : memref<1x128xi32, #tpu.memory_space<vmem>> -> memref<128xi32, #tpu.memory_space<vmem>>
        %dma_start3A_59 = arith.constant 0 : i32
        %dma_start3A_60 = tpu.memref_slice %arg8[%dma_start3A_59] : memref<1000448xf32, #tpu.memory_space<vmem_shared>> -> memref<1000448xf32, #tpu.memory_space<vmem_shared>>
        tpu.enqueue_indirect_dma source(%dma_start3A_55 : memref<128xf32, #tpu.memory_space<vmem>>) target(%dma_start3A_60 : memref<1000448xf32, #tpu.memory_space<vmem_shared>>) offsets(%dma_start3A_58 : memref<128xi32, #tpu.memory_space<vmem>>) semaphore(%run_scoped3A_53 : memref<!tpu.dma_semaphore, #tpu.memory_space<semaphore_mem>>) {add = true}
        %dma_wait3A = arith.constant 0 : i32
        %dma_wait3A_61 = tpu.memref_slice %arg6[%run_scoped3A_43, %dma_wait3A] : memref<16x128xf32, #tpu.memory_space<vmem>> -> memref<1x128xf32, #tpu.memory_space<vmem>>
        %dma_wait3A_62 = tpu.memref_squeeze %dma_wait3A_61 : memref<1x128xf32, #tpu.memory_space<vmem>> -> memref<128xf32, #tpu.memory_space<vmem>>
        %dma_wait3A_63 = arith.constant 0 : i32
        %dma_wait3A_64 = tpu.memref_slice %arg5[%run_scoped3A_44, %dma_wait3A_63] : memref<16x128xi32, #tpu.memory_space<vmem>> -> memref<1x128xi32, #tpu.memory_space<vmem>>
        %dma_wait3A_65 = tpu.memref_squeeze %dma_wait3A_64 : memref<1x128xi32, #tpu.memory_space<vmem>> -> memref<128xi32, #tpu.memory_space<vmem>>
        %dma_wait3A_66 = arith.constant 0 : i32
        %dma_wait3A_67 = tpu.memref_slice %arg8[%dma_wait3A_66] : memref<1000448xf32, #tpu.memory_space<vmem_shared>> -> memref<1000448xf32, #tpu.memory_space<vmem_shared>>
        tpu.wait_indirect_dma semaphore(%run_scoped3A_53 : memref<!tpu.dma_semaphore, #tpu.memory_space<semaphore_mem>>) src(%dma_wait3A_62 : memref<128xf32, #tpu.memory_space<vmem>>) dst(%dma_wait3A_67 : memref<1000448xf32, #tpu.memory_space<vmem_shared>>)
        tpu.yield
      }) : () -> ()
      %run_scoped3A_45 = arith.constant 12 : i32
      %run_scoped3A_46 = arith.constant 12 : i32
      "tpu.region"() ({
        %run_scoped3A_53 = tpu.sem_alloc : memref<!tpu.dma_semaphore, #tpu.memory_space<semaphore_mem>>
        %dma_start3A = arith.constant 0 : i32
        %dma_start3A_54 = tpu.memref_slice %arg6[%run_scoped3A_45, %dma_start3A] : memref<16x128xf32, #tpu.memory_space<vmem>> -> memref<1x128xf32, #tpu.memory_space<vmem>>
        %dma_start3A_55 = tpu.memref_squeeze %dma_start3A_54 : memref<1x128xf32, #tpu.memory_space<vmem>> -> memref<128xf32, #tpu.memory_space<vmem>>
        %dma_start3A_56 = arith.constant 0 : i32
        %dma_start3A_57 = tpu.memref_slice %arg5[%run_scoped3A_46, %dma_start3A_56] : memref<16x128xi32, #tpu.memory_space<vmem>> -> memref<1x128xi32, #tpu.memory_space<vmem>>
        %dma_start3A_58 = tpu.memref_squeeze %dma_start3A_57 : memref<1x128xi32, #tpu.memory_space<vmem>> -> memref<128xi32, #tpu.memory_space<vmem>>
        %dma_start3A_59 = arith.constant 0 : i32
        %dma_start3A_60 = tpu.memref_slice %arg8[%dma_start3A_59] : memref<1000448xf32, #tpu.memory_space<vmem_shared>> -> memref<1000448xf32, #tpu.memory_space<vmem_shared>>
        tpu.enqueue_indirect_dma source(%dma_start3A_55 : memref<128xf32, #tpu.memory_space<vmem>>) target(%dma_start3A_60 : memref<1000448xf32, #tpu.memory_space<vmem_shared>>) offsets(%dma_start3A_58 : memref<128xi32, #tpu.memory_space<vmem>>) semaphore(%run_scoped3A_53 : memref<!tpu.dma_semaphore, #tpu.memory_space<semaphore_mem>>) {add = true}
        %dma_wait3A = arith.constant 0 : i32
        %dma_wait3A_61 = tpu.memref_slice %arg6[%run_scoped3A_45, %dma_wait3A] : memref<16x128xf32, #tpu.memory_space<vmem>> -> memref<1x128xf32, #tpu.memory_space<vmem>>
        %dma_wait3A_62 = tpu.memref_squeeze %dma_wait3A_61 : memref<1x128xf32, #tpu.memory_space<vmem>> -> memref<128xf32, #tpu.memory_space<vmem>>
        %dma_wait3A_63 = arith.constant 0 : i32
        %dma_wait3A_64 = tpu.memref_slice %arg5[%run_scoped3A_46, %dma_wait3A_63] : memref<16x128xi32, #tpu.memory_space<vmem>> -> memref<1x128xi32, #tpu.memory_space<vmem>>
        %dma_wait3A_65 = tpu.memref_squeeze %dma_wait3A_64 : memref<1x128xi32, #tpu.memory_space<vmem>> -> memref<128xi32, #tpu.memory_space<vmem>>
        %dma_wait3A_66 = arith.constant 0 : i32
        %dma_wait3A_67 = tpu.memref_slice %arg8[%dma_wait3A_66] : memref<1000448xf32, #tpu.memory_space<vmem_shared>> -> memref<1000448xf32, #tpu.memory_space<vmem_shared>>
        tpu.wait_indirect_dma semaphore(%run_scoped3A_53 : memref<!tpu.dma_semaphore, #tpu.memory_space<semaphore_mem>>) src(%dma_wait3A_62 : memref<128xf32, #tpu.memory_space<vmem>>) dst(%dma_wait3A_67 : memref<1000448xf32, #tpu.memory_space<vmem_shared>>)
        tpu.yield
      }) : () -> ()
      %run_scoped3A_47 = arith.constant 13 : i32
      %run_scoped3A_48 = arith.constant 13 : i32
      "tpu.region"() ({
        %run_scoped3A_53 = tpu.sem_alloc : memref<!tpu.dma_semaphore, #tpu.memory_space<semaphore_mem>>
        %dma_start3A = arith.constant 0 : i32
        %dma_start3A_54 = tpu.memref_slice %arg6[%run_scoped3A_47, %dma_start3A] : memref<16x128xf32, #tpu.memory_space<vmem>> -> memref<1x128xf32, #tpu.memory_space<vmem>>
        %dma_start3A_55 = tpu.memref_squeeze %dma_start3A_54 : memref<1x128xf32, #tpu.memory_space<vmem>> -> memref<128xf32, #tpu.memory_space<vmem>>
        %dma_start3A_56 = arith.constant 0 : i32
        %dma_start3A_57 = tpu.memref_slice %arg5[%run_scoped3A_48, %dma_start3A_56] : memref<16x128xi32, #tpu.memory_space<vmem>> -> memref<1x128xi32, #tpu.memory_space<vmem>>
        %dma_start3A_58 = tpu.memref_squeeze %dma_start3A_57 : memref<1x128xi32, #tpu.memory_space<vmem>> -> memref<128xi32, #tpu.memory_space<vmem>>
        %dma_start3A_59 = arith.constant 0 : i32
        %dma_start3A_60 = tpu.memref_slice %arg8[%dma_start3A_59] : memref<1000448xf32, #tpu.memory_space<vmem_shared>> -> memref<1000448xf32, #tpu.memory_space<vmem_shared>>
        tpu.enqueue_indirect_dma source(%dma_start3A_55 : memref<128xf32, #tpu.memory_space<vmem>>) target(%dma_start3A_60 : memref<1000448xf32, #tpu.memory_space<vmem_shared>>) offsets(%dma_start3A_58 : memref<128xi32, #tpu.memory_space<vmem>>) semaphore(%run_scoped3A_53 : memref<!tpu.dma_semaphore, #tpu.memory_space<semaphore_mem>>) {add = true}
        %dma_wait3A = arith.constant 0 : i32
        %dma_wait3A_61 = tpu.memref_slice %arg6[%run_scoped3A_47, %dma_wait3A] : memref<16x128xf32, #tpu.memory_space<vmem>> -> memref<1x128xf32, #tpu.memory_space<vmem>>
        %dma_wait3A_62 = tpu.memref_squeeze %dma_wait3A_61 : memref<1x128xf32, #tpu.memory_space<vmem>> -> memref<128xf32, #tpu.memory_space<vmem>>
        %dma_wait3A_63 = arith.constant 0 : i32
        %dma_wait3A_64 = tpu.memref_slice %arg5[%run_scoped3A_48, %dma_wait3A_63] : memref<16x128xi32, #tpu.memory_space<vmem>> -> memref<1x128xi32, #tpu.memory_space<vmem>>
        %dma_wait3A_65 = tpu.memref_squeeze %dma_wait3A_64 : memref<1x128xi32, #tpu.memory_space<vmem>> -> memref<128xi32, #tpu.memory_space<vmem>>
        %dma_wait3A_66 = arith.constant 0 : i32
        %dma_wait3A_67 = tpu.memref_slice %arg8[%dma_wait3A_66] : memref<1000448xf32, #tpu.memory_space<vmem_shared>> -> memref<1000448xf32, #tpu.memory_space<vmem_shared>>
        tpu.wait_indirect_dma semaphore(%run_scoped3A_53 : memref<!tpu.dma_semaphore, #tpu.memory_space<semaphore_mem>>) src(%dma_wait3A_62 : memref<128xf32, #tpu.memory_space<vmem>>) dst(%dma_wait3A_67 : memref<1000448xf32, #tpu.memory_space<vmem_shared>>)
        tpu.yield
      }) : () -> ()
      %run_scoped3A_49 = arith.constant 14 : i32
      %run_scoped3A_50 = arith.constant 14 : i32
      "tpu.region"() ({
        %run_scoped3A_53 = tpu.sem_alloc : memref<!tpu.dma_semaphore, #tpu.memory_space<semaphore_mem>>
        %dma_start3A = arith.constant 0 : i32
        %dma_start3A_54 = tpu.memref_slice %arg6[%run_scoped3A_49, %dma_start3A] : memref<16x128xf32, #tpu.memory_space<vmem>> -> memref<1x128xf32, #tpu.memory_space<vmem>>
        %dma_start3A_55 = tpu.memref_squeeze %dma_start3A_54 : memref<1x128xf32, #tpu.memory_space<vmem>> -> memref<128xf32, #tpu.memory_space<vmem>>
        %dma_start3A_56 = arith.constant 0 : i32
        %dma_start3A_57 = tpu.memref_slice %arg5[%run_scoped3A_50, %dma_start3A_56] : memref<16x128xi32, #tpu.memory_space<vmem>> -> memref<1x128xi32, #tpu.memory_space<vmem>>
        %dma_start3A_58 = tpu.memref_squeeze %dma_start3A_57 : memref<1x128xi32, #tpu.memory_space<vmem>> -> memref<128xi32, #tpu.memory_space<vmem>>
        %dma_start3A_59 = arith.constant 0 : i32
        %dma_start3A_60 = tpu.memref_slice %arg8[%dma_start3A_59] : memref<1000448xf32, #tpu.memory_space<vmem_shared>> -> memref<1000448xf32, #tpu.memory_space<vmem_shared>>
        tpu.enqueue_indirect_dma source(%dma_start3A_55 : memref<128xf32, #tpu.memory_space<vmem>>) target(%dma_start3A_60 : memref<1000448xf32, #tpu.memory_space<vmem_shared>>) offsets(%dma_start3A_58 : memref<128xi32, #tpu.memory_space<vmem>>) semaphore(%run_scoped3A_53 : memref<!tpu.dma_semaphore, #tpu.memory_space<semaphore_mem>>) {add = true}
        %dma_wait3A = arith.constant 0 : i32
        %dma_wait3A_61 = tpu.memref_slice %arg6[%run_scoped3A_49, %dma_wait3A] : memref<16x128xf32, #tpu.memory_space<vmem>> -> memref<1x128xf32, #tpu.memory_space<vmem>>
        %dma_wait3A_62 = tpu.memref_squeeze %dma_wait3A_61 : memref<1x128xf32, #tpu.memory_space<vmem>> -> memref<128xf32, #tpu.memory_space<vmem>>
        %dma_wait3A_63 = arith.constant 0 : i32
        %dma_wait3A_64 = tpu.memref_slice %arg5[%run_scoped3A_50, %dma_wait3A_63] : memref<16x128xi32, #tpu.memory_space<vmem>> -> memref<1x128xi32, #tpu.memory_space<vmem>>
        %dma_wait3A_65 = tpu.memref_squeeze %dma_wait3A_64 : memref<1x128xi32, #tpu.memory_space<vmem>> -> memref<128xi32, #tpu.memory_space<vmem>>
        %dma_wait3A_66 = arith.constant 0 : i32
        %dma_wait3A_67 = tpu.memref_slice %arg8[%dma_wait3A_66] : memref<1000448xf32, #tpu.memory_space<vmem_shared>> -> memref<1000448xf32, #tpu.memory_space<vmem_shared>>
        tpu.wait_indirect_dma semaphore(%run_scoped3A_53 : memref<!tpu.dma_semaphore, #tpu.memory_space<semaphore_mem>>) src(%dma_wait3A_62 : memref<128xf32, #tpu.memory_space<vmem>>) dst(%dma_wait3A_67 : memref<1000448xf32, #tpu.memory_space<vmem_shared>>)
        tpu.yield
      }) : () -> ()
      %run_scoped3A_51 = arith.constant 15 : i32
      %run_scoped3A_52 = arith.constant 15 : i32
      "tpu.region"() ({
        %run_scoped3A_53 = tpu.sem_alloc : memref<!tpu.dma_semaphore, #tpu.memory_space<semaphore_mem>>
        %dma_start3A = arith.constant 0 : i32
        %dma_start3A_54 = tpu.memref_slice %arg6[%run_scoped3A_51, %dma_start3A] : memref<16x128xf32, #tpu.memory_space<vmem>> -> memref<1x128xf32, #tpu.memory_space<vmem>>
        %dma_start3A_55 = tpu.memref_squeeze %dma_start3A_54 : memref<1x128xf32, #tpu.memory_space<vmem>> -> memref<128xf32, #tpu.memory_space<vmem>>
        %dma_start3A_56 = arith.constant 0 : i32
        %dma_start3A_57 = tpu.memref_slice %arg5[%run_scoped3A_52, %dma_start3A_56] : memref<16x128xi32, #tpu.memory_space<vmem>> -> memref<1x128xi32, #tpu.memory_space<vmem>>
        %dma_start3A_58 = tpu.memref_squeeze %dma_start3A_57 : memref<1x128xi32, #tpu.memory_space<vmem>> -> memref<128xi32, #tpu.memory_space<vmem>>
        %dma_start3A_59 = arith.constant 0 : i32
        %dma_start3A_60 = tpu.memref_slice %arg8[%dma_start3A_59] : memref<1000448xf32, #tpu.memory_space<vmem_shared>> -> memref<1000448xf32, #tpu.memory_space<vmem_shared>>
        tpu.enqueue_indirect_dma source(%dma_start3A_55 : memref<128xf32, #tpu.memory_space<vmem>>) target(%dma_start3A_60 : memref<1000448xf32, #tpu.memory_space<vmem_shared>>) offsets(%dma_start3A_58 : memref<128xi32, #tpu.memory_space<vmem>>) semaphore(%run_scoped3A_53 : memref<!tpu.dma_semaphore, #tpu.memory_space<semaphore_mem>>) {add = true}
        %dma_wait3A = arith.constant 0 : i32
        %dma_wait3A_61 = tpu.memref_slice %arg6[%run_scoped3A_51, %dma_wait3A] : memref<16x128xf32, #tpu.memory_space<vmem>> -> memref<1x128xf32, #tpu.memory_space<vmem>>
        %dma_wait3A_62 = tpu.memref_squeeze %dma_wait3A_61 : memref<1x128xf32, #tpu.memory_space<vmem>> -> memref<128xf32, #tpu.memory_space<vmem>>
        %dma_wait3A_63 = arith.constant 0 : i32
        %dma_wait3A_64 = tpu.memref_slice %arg5[%run_scoped3A_52, %dma_wait3A_63] : memref<16x128xi32, #tpu.memory_space<vmem>> -> memref<1x128xi32, #tpu.memory_space<vmem>>
        %dma_wait3A_65 = tpu.memref_squeeze %dma_wait3A_64 : memref<1x128xi32, #tpu.memory_space<vmem>> -> memref<128xi32, #tpu.memory_space<vmem>>
        %dma_wait3A_66 = arith.constant 0 : i32
        %dma_wait3A_67 = tpu.memref_slice %arg8[%dma_wait3A_66] : memref<1000448xf32, #tpu.memory_space<vmem_shared>> -> memref<1000448xf32, #tpu.memory_space<vmem_shared>>
        tpu.wait_indirect_dma semaphore(%run_scoped3A_53 : memref<!tpu.dma_semaphore, #tpu.memory_space<semaphore_mem>>) src(%dma_wait3A_62 : memref<128xf32, #tpu.memory_space<vmem>>) dst(%dma_wait3A_67 : memref<1000448xf32, #tpu.memory_space<vmem_shared>>)
        tpu.yield
      }) : () -> ()
    }
    %scan3A_13 = arith.constant 31 : i32
    %barrier3A_14 = arith.constant 0 : index
    tpu.barrier barrier_id(%barrier3A_14)
    %mul3A_15 = arith.constant 62528 : i32
    %mul3A_16 = arith.muli %arg1, %mul3A_15 : i32
    "tpu.region"() ({
      %run_scoped3A = tpu.sem_alloc : memref<!tpu.dma_semaphore, #tpu.memory_space<semaphore_mem>>
      %dma_start3A = tpu.memref_slice %arg8[%mul3A_16] : memref<1000448xf32, #tpu.memory_space<vmem_shared>> -> memref<62528xf32, #tpu.memory_space<vmem_shared>>
      %dma_start3A_17 = tpu.memref_slice %arg8[%mul3A_16] : memref<1000448xf32, #tpu.memory_space<vmem_shared>> -> memref<62528xf32, #tpu.memory_space<vmem_shared>>
      tpu.enqueue_dma source(%dma_start3A_17 : memref<62528xf32, #tpu.memory_space<vmem_shared>>) target(%arg7 : memref<62528xf32, #tpu.memory_space<vmem>>) target_semaphore(%run_scoped3A : memref<!tpu.dma_semaphore, #tpu.memory_space<semaphore_mem>>)
      %dma_wait3A = tpu.memref_slice %arg8[%mul3A_16] : memref<1000448xf32, #tpu.memory_space<vmem_shared>> -> memref<62528xf32, #tpu.memory_space<vmem_shared>>
      %dma_wait3A_18 = tpu.memref_slice %arg8[%mul3A_16] : memref<1000448xf32, #tpu.memory_space<vmem_shared>> -> memref<62528xf32, #tpu.memory_space<vmem_shared>>
      tpu.wait_dma2 semaphore(%run_scoped3A : memref<!tpu.dma_semaphore, #tpu.memory_space<semaphore_mem>>) src(%dma_wait3A_18 : memref<62528xf32, #tpu.memory_space<vmem_shared>>) dst(%arg7 : memref<62528xf32, #tpu.memory_space<vmem>>)
      tpu.yield
    }) : () -> ()
    "tpu.region"() ({
      %run_scoped3A = tpu.sem_alloc : memref<!tpu.dma_semaphore, #tpu.memory_space<semaphore_mem>>
      %dma_start3A = arith.constant 0 : i32
      %dma_start3A_17 = tpu.memref_slice %arg4[%arg0, %arg1, %dma_start3A] : memref<2x16x62528xf32, #tpu.memory_space<hbm>> -> memref<1x1x62528xf32, #tpu.memory_space<hbm>>
      %dma_start3A_18 = tpu.memref_squeeze %dma_start3A_17 : memref<1x1x62528xf32, #tpu.memory_space<hbm>> -> memref<62528xf32, #tpu.memory_space<hbm>>
      %dma_start3A_19 = arith.constant 0 : i32
      %dma_start3A_20 = tpu.memref_slice %arg4[%arg0, %arg1, %dma_start3A_19] : memref<2x16x62528xf32, #tpu.memory_space<hbm>> -> memref<1x1x62528xf32, #tpu.memory_space<hbm>>
      %dma_start3A_21 = tpu.memref_squeeze %dma_start3A_20 : memref<1x1x62528xf32, #tpu.memory_space<hbm>> -> memref<62528xf32, #tpu.memory_space<hbm>>
      tpu.enqueue_dma source(%arg7 : memref<62528xf32, #tpu.memory_space<vmem>>) target(%dma_start3A_21 : memref<62528xf32, #tpu.memory_space<hbm>>) target_semaphore(%run_scoped3A : memref<!tpu.dma_semaphore, #tpu.memory_space<semaphore_mem>>)
      %dma_wait3A = arith.constant 0 : i32
      %dma_wait3A_22 = tpu.memref_slice %arg4[%arg0, %arg1, %dma_wait3A] : memref<2x16x62528xf32, #tpu.memory_space<hbm>> -> memref<1x1x62528xf32, #tpu.memory_space<hbm>>
      %dma_wait3A_23 = tpu.memref_squeeze %dma_wait3A_22 : memref<1x1x62528xf32, #tpu.memory_space<hbm>> -> memref<62528xf32, #tpu.memory_space<hbm>>
      %dma_wait3A_24 = arith.constant 0 : i32
      %dma_wait3A_25 = tpu.memref_slice %arg4[%arg0, %arg1, %dma_wait3A_24] : memref<2x16x62528xf32, #tpu.memory_space<hbm>> -> memref<1x1x62528xf32, #tpu.memory_space<hbm>>
      %dma_wait3A_26 = tpu.memref_squeeze %dma_wait3A_25 : memref<1x1x62528xf32, #tpu.memory_space<hbm>> -> memref<62528xf32, #tpu.memory_space<hbm>>
      tpu.wait_dma2 semaphore(%run_scoped3A : memref<!tpu.dma_semaphore, #tpu.memory_space<semaphore_mem>>) src(%arg7 : memref<62528xf32, #tpu.memory_space<vmem>>) dst(%dma_wait3A_26 : memref<62528xf32, #tpu.memory_space<hbm>>)
      tpu.yield
    }) : () -> ()
    return
  }
}

module attributes {stable_mosaic.version = 14 : i64} {
  func.func @_sset_body(%arg0: memref<64x2xi32, #tpu.memory_space<vmem>>, %arg1: memref<1001x32xf32, #tpu.memory_space<vmem>>, %arg2: memref<32x1xf32, #tpu.memory_space<vmem>>, %arg3: memref<1x1xf32, #tpu.memory_space<vmem>>, %arg4: memref<2x32xf32, #tpu.memory_space<vmem>>) attributes {dimension_semantics = [], scalar_prefetch = 0 : i64, scratch_operands = 0 : i64, tpu.core_type = #tpu.core_type<tc>} {
    %get3A = arith.constant 0 : index
    %get3A_0 = arith.constant 0 : index
    %get3A_1 = vector.load %arg0[%get3A, %get3A_0] : memref<64x2xi32, #tpu.memory_space<vmem>>, vector<64x1xi32>
    %iota3A = tpu.iota {dimensions = array<i32: 1>} : vector<64x1001xi32>
    %eq3A = vector.broadcast %get3A_1 : vector<64x1xi32> to vector<64x1001xi32>
    %eq3A_2 = arith.cmpi eq, %iota3A, %eq3A : vector<64x1001xi32>
    %convert_element_type3A = arith.extui %eq3A_2 : vector<64x1001xi1> to vector<64x1001xi32>
    %convert_element_type3A_3 = arith.sitofp %convert_element_type3A : vector<64x1001xi32> to vector<64x1001xf32>
    %get3A_4 = arith.constant 0 : index
    %get3A_5 = arith.constant 0 : index
    %get3A_6 = vector.load %arg1[%get3A_4, %get3A_5] : memref<1001x32xf32, #tpu.memory_space<vmem>>, vector<1001x32xf32>
    %dot_general3A = arith.constant dense<0.000000e+00> : vector<64x32xf32>
    %dot_general3A_7 = tpu.matmul %convert_element_type3A_3, %get3A_6, %dot_general3A {dimension_numbers = #tpu.dot_dimension_numbers<[1], [0], [0], [1], [0, 0, 1, 1], [], []>, precision = #tpu.contract_precision<fp32>, transpose_lhs_hint = false} : vector<64x1001xf32>, vector<1001x32xf32>, vector<64x32xf32> -> vector<64x32xf32>
    %convert_element_type3A_8 = arith.truncf %dot_general3A_7 : vector<64x32xf32> to vector<64x32xbf16>
    %get3A_9 = arith.constant 0 : index
    %get3A_10 = arith.constant 0 : index
    %get3A_11 = vector.load %arg2[%get3A_9, %get3A_10] : memref<32x1xf32, #tpu.memory_space<vmem>>, vector<32x1xf32>
    %convert_element_type3A_12 = arith.truncf %get3A_11 : vector<32x1xf32> to vector<32x1xbf16>
    %dot_general3A_13 = arith.constant dense<0.000000e+00> : vector<64x1xf32>
    %dot_general3A_14 = tpu.matmul %convert_element_type3A_8, %convert_element_type3A_12, %dot_general3A_13 {dimension_numbers = #tpu.dot_dimension_numbers<[1], [0], [0], [1], [0, 0, 1, 1], [], []>, transpose_lhs_hint = false} : vector<64x32xbf16>, vector<32x1xbf16>, vector<64x1xf32> -> vector<64x1xf32>
    %get3A_15 = arith.constant 0 : index
    %get3A_16 = arith.constant 0 : index
    %get3A_17 = vector.load %arg3[%get3A_15, %get3A_16] : memref<1x1xf32, #tpu.memory_space<vmem>>, vector<1x1xf32>
    %get3A_18 = vector.extract %get3A_17[0, 0] : f32 from vector<1x1xf32>
    %add3A = vector.broadcast %get3A_18 : f32 to vector<64x1xf32>
    %add3A_19 = arith.addf %dot_general3A_14, %add3A : vector<64x1xf32>
    %reduce_max3A = arith.constant dense<0xFF800000> : vector<1xf32>
    %reduce_max3A_20 = vector.multi_reduction <maximumf>, %add3A_19, %reduce_max3A [0] : vector<64x1xf32> to vector<1xf32>
    %broadcast_in_dim3A = vector.shape_cast %reduce_max3A_20 : vector<1xf32> to vector<1x1xf32>
    %sub3A = vector.broadcast %broadcast_in_dim3A : vector<1x1xf32> to vector<64x1xf32>
    %sub3A_21 = arith.subf %add3A_19, %sub3A : vector<64x1xf32>
    %exp3A = math.exp %sub3A_21 : vector<64x1xf32>
    %reduce_sum3A = arith.constant dense<0.000000e+00> : vector<1xf32>
    %reduce_sum3A_22 = vector.multi_reduction <add>, %exp3A, %reduce_sum3A [0] : vector<64x1xf32> to vector<1xf32>
    %broadcast_in_dim3A_23 = vector.shape_cast %reduce_sum3A_22 : vector<1xf32> to vector<1x1xf32>
    %div3A = vector.broadcast %broadcast_in_dim3A_23 : vector<1x1xf32> to vector<64x1xf32>
    %div3A_24 = arith.divf %exp3A, %div3A : vector<64x1xf32>
    %mul3A = vector.broadcast %div3A_24 : vector<64x1xf32> to vector<64x32xf32>
    %mul3A_25 = arith.mulf %mul3A, %dot_general3A_7 : vector<64x32xf32>
    %reduce_sum3A_26 = arith.constant dense<0.000000e+00> : vector<32xf32>
    %reduce_sum3A_27 = vector.multi_reduction <add>, %mul3A_25, %reduce_sum3A_26 [0] : vector<64x32xf32> to vector<32xf32>
    %broadcast_in_dim3A_28 = vector.shape_cast %reduce_sum3A_27 : vector<32xf32> to vector<1x32xf32>
    %mul3A_29 = arith.mulf %broadcast_in_dim3A_28, %broadcast_in_dim3A_28 : vector<1x32xf32>
    %reduce_sum3A_30 = arith.constant dense<0.000000e+00> : vector<1xf32>
    %reduce_sum3A_31 = vector.multi_reduction <add>, %mul3A_29, %reduce_sum3A_30 [1] : vector<1x32xf32> to vector<1xf32>
    %broadcast_in_dim3A_32 = vector.shape_cast %reduce_sum3A_31 : vector<1xf32> to vector<1x1xf32>
    %sqrt3A = math.sqrt %broadcast_in_dim3A_32 : vector<1x1xf32>
    %max3A = arith.constant 9.99999996E-13 : f32
    %max3A_33 = vector.broadcast %max3A : f32 to vector<1x1xf32>
    %max3A_34 = arith.maximumf %sqrt3A, %max3A_33 : vector<1x1xf32>
    %div3A_35 = vector.broadcast %max3A_34 : vector<1x1xf32> to vector<1x32xf32>
    %div3A_36 = arith.divf %broadcast_in_dim3A_28, %div3A_35 : vector<1x32xf32>
    %swap3A = arith.constant 0 : index
    %swap3A_37 = arith.constant 0 : index
    %swap3A_38 = vector.load %arg4[%swap3A, %swap3A_37] : memref<2x32xf32, #tpu.memory_space<vmem>>, vector<1x32xf32>
    tpu.vector_store %arg4[%swap3A, %swap3A_37], %div3A_36 {strides = array<i32>} : memref<2x32xf32, #tpu.memory_space<vmem>>, vector<1x32xf32>,
    %get3A_39 = arith.constant 0 : index
    %get3A_40 = arith.constant 1 : index
    %get3A_41 = vector.load %arg0[%get3A_39, %get3A_40] : memref<64x2xi32, #tpu.memory_space<vmem>>, vector<64x1xi32>
    %iota3A_42 = tpu.iota {dimensions = array<i32: 1>} : vector<64x1001xi32>
    %eq3A_43 = vector.broadcast %get3A_41 : vector<64x1xi32> to vector<64x1001xi32>
    %eq3A_44 = arith.cmpi eq, %iota3A_42, %eq3A_43 : vector<64x1001xi32>
    %convert_element_type3A_45 = arith.extui %eq3A_44 : vector<64x1001xi1> to vector<64x1001xi32>
    %convert_element_type3A_46 = arith.sitofp %convert_element_type3A_45 : vector<64x1001xi32> to vector<64x1001xf32>
    %get3A_47 = arith.constant 0 : index
    %get3A_48 = arith.constant 0 : index
    %get3A_49 = vector.load %arg1[%get3A_47, %get3A_48] : memref<1001x32xf32, #tpu.memory_space<vmem>>, vector<1001x32xf32>
    %dot_general3A_50 = arith.constant dense<0.000000e+00> : vector<64x32xf32>
    %dot_general3A_51 = tpu.matmul %convert_element_type3A_46, %get3A_49, %dot_general3A_50 {dimension_numbers = #tpu.dot_dimension_numbers<[1], [0], [0], [1], [0, 0, 1, 1], [], []>, precision = #tpu.contract_precision<fp32>, transpose_lhs_hint = false} : vector<64x1001xf32>, vector<1001x32xf32>, vector<64x32xf32> -> vector<64x32xf32>
    %convert_element_type3A_52 = arith.truncf %dot_general3A_51 : vector<64x32xf32> to vector<64x32xbf16>
    %get3A_53 = arith.constant 0 : index
    %get3A_54 = arith.constant 0 : index
    %get3A_55 = vector.load %arg2[%get3A_53, %get3A_54] : memref<32x1xf32, #tpu.memory_space<vmem>>, vector<32x1xf32>
    %convert_element_type3A_56 = arith.truncf %get3A_55 : vector<32x1xf32> to vector<32x1xbf16>
    %dot_general3A_57 = arith.constant dense<0.000000e+00> : vector<64x1xf32>
    %dot_general3A_58 = tpu.matmul %convert_element_type3A_52, %convert_element_type3A_56, %dot_general3A_57 {dimension_numbers = #tpu.dot_dimension_numbers<[1], [0], [0], [1], [0, 0, 1, 1], [], []>, transpose_lhs_hint = false} : vector<64x32xbf16>, vector<32x1xbf16>, vector<64x1xf32> -> vector<64x1xf32>
    %get3A_59 = arith.constant 0 : index
    %get3A_60 = arith.constant 0 : index
    %get3A_61 = vector.load %arg3[%get3A_59, %get3A_60] : memref<1x1xf32, #tpu.memory_space<vmem>>, vector<1x1xf32>
    %get3A_62 = vector.extract %get3A_61[0, 0] : f32 from vector<1x1xf32>
    %add3A_63 = vector.broadcast %get3A_62 : f32 to vector<64x1xf32>
    %add3A_64 = arith.addf %dot_general3A_58, %add3A_63 : vector<64x1xf32>
    %reduce_max3A_65 = arith.constant dense<0xFF800000> : vector<1xf32>
    %reduce_max3A_66 = vector.multi_reduction <maximumf>, %add3A_64, %reduce_max3A_65 [0] : vector<64x1xf32> to vector<1xf32>
    %broadcast_in_dim3A_67 = vector.shape_cast %reduce_max3A_66 : vector<1xf32> to vector<1x1xf32>
    %sub3A_68 = vector.broadcast %broadcast_in_dim3A_67 : vector<1x1xf32> to vector<64x1xf32>
    %sub3A_69 = arith.subf %add3A_64, %sub3A_68 : vector<64x1xf32>
    %exp3A_70 = math.exp %sub3A_69 : vector<64x1xf32>
    %reduce_sum3A_71 = arith.constant dense<0.000000e+00> : vector<1xf32>
    %reduce_sum3A_72 = vector.multi_reduction <add>, %exp3A_70, %reduce_sum3A_71 [0] : vector<64x1xf32> to vector<1xf32>
    %broadcast_in_dim3A_73 = vector.shape_cast %reduce_sum3A_72 : vector<1xf32> to vector<1x1xf32>
    %div3A_74 = vector.broadcast %broadcast_in_dim3A_73 : vector<1x1xf32> to vector<64x1xf32>
    %div3A_75 = arith.divf %exp3A_70, %div3A_74 : vector<64x1xf32>
    %mul3A_76 = vector.broadcast %div3A_75 : vector<64x1xf32> to vector<64x32xf32>
    %mul3A_77 = arith.mulf %mul3A_76, %dot_general3A_51 : vector<64x32xf32>
    %reduce_sum3A_78 = arith.constant dense<0.000000e+00> : vector<32xf32>
    %reduce_sum3A_79 = vector.multi_reduction <add>, %mul3A_77, %reduce_sum3A_78 [0] : vector<64x32xf32> to vector<32xf32>
    %broadcast_in_dim3A_80 = vector.shape_cast %reduce_sum3A_79 : vector<32xf32> to vector<1x32xf32>
    %mul3A_81 = arith.mulf %broadcast_in_dim3A_80, %broadcast_in_dim3A_80 : vector<1x32xf32>
    %reduce_sum3A_82 = arith.constant dense<0.000000e+00> : vector<1xf32>
    %reduce_sum3A_83 = vector.multi_reduction <add>, %mul3A_81, %reduce_sum3A_82 [1] : vector<1x32xf32> to vector<1xf32>
    %broadcast_in_dim3A_84 = vector.shape_cast %reduce_sum3A_83 : vector<1xf32> to vector<1x1xf32>
    %sqrt3A_85 = math.sqrt %broadcast_in_dim3A_84 : vector<1x1xf32>
    %max3A_86 = arith.constant 9.99999996E-13 : f32
    %max3A_87 = vector.broadcast %max3A_86 : f32 to vector<1x1xf32>
    %max3A_88 = arith.maximumf %sqrt3A_85, %max3A_87 : vector<1x1xf32>
    %div3A_89 = vector.broadcast %max3A_88 : vector<1x1xf32> to vector<1x32xf32>
    %div3A_90 = arith.divf %broadcast_in_dim3A_80, %div3A_89 : vector<1x32xf32>
    %swap3A_91 = arith.constant 1 : index
    %swap3A_92 = arith.constant 0 : index
    %swap3A_93 = vector.load %arg4[%swap3A_91, %swap3A_92] : memref<2x32xf32, #tpu.memory_space<vmem>>, vector<1x32xf32>
    tpu.vector_store %arg4[%swap3A_91, %swap3A_92], %div3A_90 {strides = array<i32>} : memref<2x32xf32, #tpu.memory_space<vmem>>, vector<1x32xf32>,
    return
  }
}

module attributes {stable_mosaic.version = 14 : i64} {
  func.func @_score_body(%arg0: i32, %arg1: memref<2x32xf32, #tpu.memory_space<vmem>>, %arg2: memref<32256x32xf32, #tpu.memory_space<vmem>>, %arg3: memref<1x1x32256xf32, #tpu.memory_space<vmem>>, %arg4: memref<2x32256xf32, #tpu.memory_space<vmem>>, %arg5: memref<1x1xf32, #tpu.memory_space<vmem>>) attributes {dimension_semantics = [#tpu.dimension_semantics<arbitrary>], iteration_bounds = array<i64: 32>, scalar_prefetch = 0 : i64, scratch_operands = 0 : i64, tpu.core_type = #tpu.core_type<tc>, window_params = [{pipeline_mode = #tpu.pipeline_mode<synchronous>, transform_indices = @transform_0, window_bounds = array<i64: 2, 32>}, {transform_indices = @transform_1, window_bounds = array<i64: 32256, 32>}, {transform_indices = @transform_2, window_bounds = array<i64: 1, 1, 32256>}, {transform_indices = @transform_3, window_bounds = array<i64: 2, 32256>}, {pipeline_mode = #tpu.pipeline_mode<synchronous>, transform_indices = @transform_4, window_bounds = array<i64: 1, 1>}]} {
    %get3A = arith.constant 0 : index
    %get3A_0 = arith.constant 0 : index
    %get3A_1 = vector.load %arg2[%get3A, %get3A_0] : memref<32256x32xf32, #tpu.memory_space<vmem>>, vector<32256x32xf32>
    %mul3A = arith.mulf %get3A_1, %get3A_1 : vector<32256x32xf32>
    %reduce_sum3A = arith.constant dense<0.000000e+00> : vector<32256xf32>
    %reduce_sum3A_2 = vector.multi_reduction <add>, %mul3A, %reduce_sum3A [1] : vector<32256x32xf32> to vector<32256xf32>
    %broadcast_in_dim3A = vector.shape_cast %reduce_sum3A_2 : vector<32256xf32> to vector<32256x1xf32>
    %sqrt3A = math.sqrt %broadcast_in_dim3A : vector<32256x1xf32>
    %max3A = arith.constant 9.99999996E-13 : f32
    %max3A_3 = vector.broadcast %max3A : f32 to vector<32256x1xf32>
    %max3A_4 = arith.maximumf %sqrt3A, %max3A_3 : vector<32256x1xf32>
    %div3A = vector.broadcast %max3A_4 : vector<32256x1xf32> to vector<32256x32xf32>
    %div3A_5 = arith.divf %get3A_1, %div3A : vector<32256x32xf32>
    %get3A_6 = arith.constant 0 : index
    %get3A_7 = arith.constant 0 : index
    %get3A_8 = vector.load %arg1[%get3A_6, %get3A_7] : memref<2x32xf32, #tpu.memory_space<vmem>>, vector<2x32xf32>
    %convert_element_type3A = arith.truncf %get3A_8 : vector<2x32xf32> to vector<2x32xbf16>
    %convert_element_type3A_9 = arith.truncf %div3A_5 : vector<32256x32xf32> to vector<32256x32xbf16>
    %dot_general3A = arith.constant dense<0.000000e+00> : vector<2x32256xf32>
    %dot_general3A_10 = tpu.matmul %convert_element_type3A, %convert_element_type3A_9, %dot_general3A {dimension_numbers = #tpu.dot_dimension_numbers<[1], [1], [0], [0], [0, 0, 1, 0], [], []>, transpose_lhs_hint = false} : vector<2x32xbf16>, vector<32256x32xbf16>, vector<2x32256xf32> -> vector<2x32256xf32>
    %jit3A = arith.constant -1.000000e+01 : f32
    %jit3A_11 = arith.constant 1.000000e+01 : f32
    %max3A_12 = vector.broadcast %jit3A : f32 to vector<2x32256xf32>
    %max3A_13 = arith.maximumf %max3A_12, %dot_general3A_10 : vector<2x32256xf32>
    %min3A = vector.broadcast %jit3A_11 : f32 to vector<2x32256xf32>
    %min3A_14 = arith.minimumf %min3A, %max3A_13 : vector<2x32256xf32>
    %logistic3A = arith.negf %min3A_14 : vector<2x32256xf32>
    %logistic3A_15 = math.exp %logistic3A : vector<2x32256xf32>
    %logistic3A_16 = arith.constant 1.000000e+00 : f32
    %logistic3A_17 = vector.broadcast %logistic3A_16 : f32 to vector<2x32256xf32>
    %logistic3A_18 = arith.addf %logistic3A_17, %logistic3A_15 : vector<2x32256xf32>
    %logistic3A_19 = arith.divf %logistic3A_17, %logistic3A_18 : vector<2x32256xf32>
    %gt3A = arith.constant 5.000000e-01 : f32
    %gt3A_20 = vector.broadcast %gt3A : f32 to vector<2x32256xf32>
    %gt3A_21 = arith.cmpf ogt, %logistic3A_19, %gt3A_20 : vector<2x32256xf32>
    %jit3A_22 = arith.constant 0.000000e+00 : f32
    %broadcast_in_dim3A_23 = vector.broadcast %jit3A_22 : f32 to vector<2x32256xf32>
    %select_n3A = arith.select %gt3A_21, %logistic3A_19, %broadcast_in_dim3A_23 : vector<2x32256xi1>, vector<2x32256xf32>
    %iota3A = tpu.iota {dimensions = array<i32: 1>} : vector<2x32256xi32>
    %mul3A_24 = arith.constant 32256 : i32
    %mul3A_25 = arith.muli %arg0, %mul3A_24 : i32
    %add3A = vector.broadcast %mul3A_25 : i32 to vector<2x32256xi32>
    %add3A_26 = arith.addi %iota3A, %add3A : vector<2x32256xi32>
    %ge3A = arith.constant 1 : i32
    %ge3A_27 = vector.broadcast %ge3A : i32 to vector<2x32256xi32>
    %ge3A_28 = arith.cmpi sge, %add3A_26, %ge3A_27 : vector<2x32256xi32>
    %le3A = arith.constant 1000000 : i32
    %le3A_29 = vector.broadcast %le3A : i32 to vector<2x32256xi32>
    %le3A_30 = arith.cmpi sle, %add3A_26, %le3A_29 : vector<2x32256xi32>
    %and3A = arith.andi %ge3A_28, %le3A_30 : vector<2x32256xi1>
    %jit3A_31 = arith.constant 0.000000e+00 : f32
    %broadcast_in_dim3A_32 = vector.broadcast %jit3A_31 : f32 to vector<2x32256xf32>
    %select_n3A_33 = arith.select %and3A, %select_n3A, %broadcast_in_dim3A_32 : vector<2x32256xi1>, vector<2x32256xf32>
    %swap3A = arith.constant 0 : index
    %swap3A_34 = arith.constant 0 : index
    %swap3A_35 = vector.load %arg4[%swap3A, %swap3A_34] : memref<2x32256xf32, #tpu.memory_space<vmem>>, vector<2x32256xf32>
    tpu.vector_store %arg4[%swap3A, %swap3A_34], %select_n3A_33 {strides = array<i32>} : memref<2x32256xf32, #tpu.memory_space<vmem>>, vector<2x32256xf32>,
    %reduce_sum3A_36 = arith.constant dense<0.000000e+00> : vector<32256xf32>
    %reduce_sum3A_37 = vector.multi_reduction <add>, %select_n3A_33, %reduce_sum3A_36 [0] : vector<2x32256xf32> to vector<32256xf32>
    %broadcast_in_dim3A_38 = vector.shape_cast %reduce_sum3A_37 : vector<32256xf32> to vector<1x32256xf32>
    %get3A_39 = arith.constant 0 : index
    %get3A_40 = arith.constant 0 : index
    %get3A_41 = arith.constant 0 : index
    %get3A_42 = vector.load %arg3[%get3A_39, %get3A_40, %get3A_41] : memref<1x1x32256xf32, #tpu.memory_space<vmem>>, vector<1x1x32256xf32>
    %get3A_43 = vector.shape_cast %get3A_42 : vector<1x1x32256xf32> to vector<1x32256xf32>
    %mul3A_44 = arith.mulf %broadcast_in_dim3A_38, %get3A_43 : vector<1x32256xf32>
    %reduce_sum3A_45 = vector.shape_cast %mul3A_44 : vector<1x32256xf32> to vector<1x1x32256xf32>
    %reduce_sum3A_46 = arith.constant dense<0.000000e+00> : vector<1xf32>
    %reduce_sum3A_47 = vector.multi_reduction <add>, %reduce_sum3A_45, %reduce_sum3A_46 [1, 2] : vector<1x1x32256xf32> to vector<1xf32>
    %reduce_sum3A_48 = vector.shape_cast %reduce_sum3A_47 : vector<1xf32> to vector<1x1x1xf32>
    %reduce_sum3A_49 = vector.extract %reduce_sum3A_48[0, 0, 0] : f32 from vector<1x1x1xf32>
    %eq3A = arith.constant 0 : i32
    %eq3A_50 = arith.cmpi eq, %arg0, %eq3A : i32
    %convert_element_type3A_51 = arith.extui %eq3A_50 : i1 to i32
    %cond3A = arith.constant 0 : i32
    %cond3A_52 = arith.cmpi ne, %convert_element_type3A_51, %cond3A : i32
    scf.if %cond3A_52 {
      %broadcast_in_dim3A_61 = arith.constant 0.000000e+00 : f32
      %broadcast_in_dim3A_62 = vector.broadcast %broadcast_in_dim3A_61 : f32 to vector<1x1xf32>
      %swap3A_63 = arith.constant 0 : index
      %swap3A_64 = arith.constant 0 : index
      %swap3A_65 = vector.load %arg5[%swap3A_63, %swap3A_64] : memref<1x1xf32, #tpu.memory_space<vmem>>, vector<1x1xf32>
      tpu.vector_store %arg5[%swap3A_63, %swap3A_64], %broadcast_in_dim3A_62 {strides = array<i32>} : memref<1x1xf32, #tpu.memory_space<vmem>>, vector<1x1xf32>,
    } else {
    }
    %get3A_53 = arith.constant 0 : index
    %get3A_54 = arith.constant 0 : index
    %get3A_55 = vector.load %arg5[%get3A_53, %get3A_54] : memref<1x1xf32, #tpu.memory_space<vmem>>, vector<1x1xf32>
    %add3A_56 = vector.broadcast %reduce_sum3A_49 : f32 to vector<1x1xf32>
    %add3A_57 = arith.addf %get3A_55, %add3A_56 : vector<1x1xf32>
    %swap3A_58 = arith.constant 0 : index
    %swap3A_59 = arith.constant 0 : index
    %swap3A_60 = vector.load %arg5[%swap3A_58, %swap3A_59] : memref<1x1xf32, #tpu.memory_space<vmem>>, vector<1x1xf32>
    tpu.vector_store %arg5[%swap3A_58, %swap3A_59], %add3A_57 {strides = array<i32>} : memref<1x1xf32, #tpu.memory_space<vmem>>, vector<1x1xf32>,
    return
  }
  func.func @transform_0(%arg0: i32) -> (i32, i32) {
    %c0_i32 = arith.constant 0 : i32
    %c0_i32_0 = arith.constant 0 : i32
    %c0_i32_1 = arith.constant 0 : i32
    return %c0_i32, %c0_i32_0 : i32, i32
  }
  func.func @transform_1(%arg0: i32) -> (i32, i32) {
    %c0_i32 = arith.constant 0 : i32
    %c0_i32_0 = arith.constant 0 : i32
    return %arg0, %c0_i32 : i32, i32
  }
  func.func @transform_2(%arg0: i32) -> (i32, i32, i32) {
    %c0_i32 = arith.constant 0 : i32
    %c0_i32_0 = arith.constant 0 : i32
    %c0_i32_1 = arith.constant 0 : i32
    return %arg0, %c0_i32, %c0_i32_0 : i32, i32, i32
  }
  func.func @transform_3(%arg0: i32) -> (i32, i32) {
    %c0_i32 = arith.constant 0 : i32
    %c0_i32_0 = arith.constant 0 : i32
    return %c0_i32, %arg0 : i32, i32
  }
  func.func @transform_4(%arg0: i32) -> (i32, i32) {
    %c0_i32 = arith.constant 0 : i32
    %c0_i32_0 = arith.constant 0 : i32
    %c0_i32_1 = arith.constant 0 : i32
    return %c0_i32, %c0_i32_0 : i32, i32
  }
}

</mosaic_0001>

<sc_bundles>
// kernel: kernel.5.cloned.1.call-start
scs
__scs_entry_jumppad:
0x0: {  	(pc) =	sbr.rel $0x88, $3  }
0x1: {  	(tag) =	ssettag $0x0;
	lr =	simm.s32 $0x1  }
0x2: {  	[smem:$0x3F9A] =	sst lr;
	_ =	strace $0xD0000000  }
0x3: {  	_ = 	snop  }
0x4: {  	_ = 	snop  }
0x5: {  	_ = 	snop  }
0x6: {  	_ = 	snop  }
0x7: {  	_ = 	snop  }
__scs_overlays_trampoline_lowered:
0x8: {  	[smem:$0x3FA9] =	sst s0  }
0x9: {  	[smem:$0x3FAA] =	sst s1  }
0xa: {  	[smem:$0x3FAB] =	sst s2  }
0xb: {  	[smem:$0x3FAC] =	sst s3  }
0xc: {  	[smem:$0x3FAD] =	sst s4  }
0xd: {  	[smem:$0x3FAE] =	sst s5  }
0xe: {  	[smem:$0x3FAF] =	sst s6  }
0xf: {  	[smem:$0x3FB0] =	sst s7  }
0x10: {  	[smem:$0x3FB1] =	sst s8  }
0x11: {  	[smem:$0x3FB2] =	sst s9;
	s0 =	simm.s32 @!p0 $0x0  }
0x12: {  	s1 =	sld [smem:$0x3F98];
	s0 =	simm.s32 @p0 $0x1  }
0x13: {  	[smem:$0x3FB3] =	sst s0;
	s0 =	simm.s32 @!p1 $0x0  }
0x14: {  	s2 =	sld [smem:$0x3F97];
	s0 =	simm.s32 @p1 $0x1  }
0x15: {  	[smem:$0x3FB4] =	sst s0;
	s0 =	simm.s32 @!p2 $0x0  }
0x16: {  	s3 =	sld [smem:$0x3FDB];
	s0 =	simm.s32 @p2 $0x1  }
0x17: {  	s4 =	simm.s32 $0x1BF5;
	[smem:$0x3FB6] =	sst s0  }
0x18: {  	s0 =	sld [smem:$0x3F99];
	_ =	swait.ge [sflag:s4], $0x0  }
0x19: {  	s7 =	sld [smem:$0x3F9A]  }
0x1a: {  	s8 =	sadd.s32 $0xFFFFE003, lr  }
0x1b: {  	s9 =	sadd.s32 $0xFFFFFEF7, lr;
	s5 =	simm.s32 $0xFFFFFFFF;
	p2 =	slt.u32 s8, $0xFFFFF086  }
0x1c: {  	p1 =	slt.u32 s9, $0xF7A;
	s5 =	simm.s32 @!p2 $0x0  }
0x1d: {  	s5 =	simm.s32 @p1 $0x1;
	p0 =	seq.s32 s7, s2  }
0x1e: {  	s7 =	smul.u32 @!p0 $0xF7A, s2;
	p2 =	seq.s32 @!p0 s5, $0x0  }
0x1f: {  	s9 =	smul.u32 $0xF7A, s1;
	s8 =	simm.s32 @!p0 $0x1BF5;
	p2 =	por !p2, p0  }
0x20: {  	[sflag:s8] =	ssyncset.s32 @!p0 $0xFFFFF086;
	s6 =	sadd.s32 @!p0 s3, s7;
	s7 =	simm.s32 @!p0 $0x108  }
0x21: {  	s3 =	sadd.s32 s3, s9;
	s6 =	sadd.s32 @!p0 $0x88, s6;
	s7 =	simm.s32 @p2 $0x1082  }
0x22: {  	[simem:s7], [sflag:s8] =	dma.local @!p0 [hbm:s6], $0xF7A  }
0x23: {  	s9 =	sor.u32 $0xD0000000, s2;
	s6 =	simm.s32 $0x108;
	_ =	swait.ge @!p0 [sflag:s8], $0x0  }
0x24: {  	s3 =	sadd.s32 $0x88, s3;
	s6 =	simm.s32 @!p1 $0x1082;
	[sflag:s4] =	ssyncset.s32 $0xFFFFF086  }
0x25: {  	[simem:s6], [sflag:s4] =	dma.local [hbm:s3], $0xF7A  }
0x26: {  	[smem:$0x3F9A] =	sst s1;
	(tag) =	ssettag s2;
	_ =	strace s9  }
0x27: {  	s1 =	sld [smem:$0x3FAA]  }
0x28: {  	s2 =	sld [smem:$0x3FAB]  }
0x29: {  	s4 =	sld [smem:$0x3FAD]  }
0x2a: {  	p0 =	seq.s32 s5, $0x0;
	s5 =	sld [smem:$0x3FAE]  }
0x2b: {  	s6 =	sld [smem:$0x3FAF]  }
0x2c: {  	s7 =	sld [smem:$0x3FB0]  }
0x2d: {  	s3 =	simm.s32 $0x108;
	s8 =	sld [smem:$0x3FB1]  }
0x2e: {  	s3 =	simm.s32 @!p0 $0x1082;
	s9 =	sld [smem:$0x3FB2]  }
0x2f: {  	lr =	sadd.s32 s0, s3;
	s0 =	sld [smem:$0x3FA9]  }
0x30: {  	s3 =	sld [smem:$0x3FAC]  }
0x31: {  	[smem:$0x3FB5] =	sst s10  }
0x32: {  	s10 =	sld [smem:$0x3FB3];
	_ =	sdelay $0x3  }
0x33: {  	p0 =	seq.s32 s10, $0x1;
	s10 =	sld [smem:$0x3FB5];
	_ =	sdelay $0x3  }
0x34: {  	[smem:$0x3FB5] =	sst s10  }
0x35: {  	s10 =	sld [smem:$0x3FB4];
	_ =	sdelay $0x3  }
0x36: {  	p1 =	seq.s32 s10, $0x1;
	s10 =	sld [smem:$0x3FB5];
	_ =	sdelay $0x3  }
0x37: {  	[smem:$0x3FB5] =	sst s10  }
0x38: {  	s10 =	sld [smem:$0x3FB6]  }
0x39: {  	_ = 	snop;
	(pc) =	sbr.ind lr, $3  }
0x3a: {  	_ = 	snop  }
0x3b: {  	_ = 	snop  }
0x3c: {  	p2 =	seq.s32 s10, $0x1;
	s10 =	sld [smem:$0x3FB5]  }
0x3d: {  	_ =	shalt  }
0x3e: {  	_ =	shalt  }
0x3f: {  	_ =	shalt  }
0x40: {  	_ =	shalt  }
0x41: {  	_ =	shalt  }
0x42: {  	_ =	shalt  }
0x43: {  	_ =	shalt  }
0x44: {  	_ =	shalt  }
0x45: {  	_ =	shalt  }
0x46: {  	_ =	shalt  }
0x47: {  	_ =	shalt  }
0x48: {  	_ =	shalt  }
0x49: {  	_ =	shalt  }
0x4a: {  	_ =	shalt  }
0x4b: {  	_ =	shalt  }
0x4c: {  	_ =	shalt  }
0x4d: {  	_ =	shalt  }
0x4e: {  	_ =	shalt  }
0x4f: {  	_ =	shalt  }
0x50: {  	_ =	shalt  }
0x51: {  	_ =	shalt  }
0x52: {  	_ =	shalt  }
0x53: {  	_ =	shalt  }
0x54: {  	_ =	shalt  }
0x55: {  	_ =	shalt  }
0x56: {  	_ =	shalt  }
0x57: {  	_ =	shalt  }
0x58: {  	_ =	shalt  }
0x59: {  	_ =	shalt  }
0x5a: {  	_ =	shalt  }
0x5b: {  	_ =	shalt  }
0x5c: {  	_ =	shalt  }
0x5d: {  	_ =	shalt  }
0x5e: {  	_ =	shalt  }
0x5f: {  	_ =	shalt  }
0x60: {  	_ =	shalt  }
0x61: {  	_ =	shalt  }
0x62: {  	_ =	shalt  }
0x63: {  	_ =	shalt  }
0x64: {  	_ =	shalt  }
0x65: {  	_ =	shalt  }
0x66: {  	_ =	shalt  }
0x67: {  	_ =	shalt  }
0x68: {  	_ =	shalt  }
0x69: {  	_ =	shalt  }
0x6a: {  	_ =	shalt  }
0x6b: {  	_ =	shalt  }
0x6c: {  	_ =	shalt  }
0x6d: {  	_ =	shalt  }
0x6e: {  	_ =	shalt  }
0x6f: {  	_ =	shalt  }
0x70: {  	_ =	shalt  }
0x71: {  	_ =	shalt  }
0x72: {  	_ =	shalt  }
0x73: {  	_ =	shalt  }
0x74: {  	_ =	shalt  }
0x75: {  	_ =	shalt  }
0x76: {  	_ =	shalt  }
0x77: {  	_ =	shalt  }
0x78: {  	_ =	shalt  }
0x79: {  	_ =	shalt  }
0x7a: {  	_ =	shalt  }
0x7b: {  	_ =	shalt  }
0x7c: {  	_ =	shalt  }
0x7d: {  	_ =	shalt  }
0x7e: {  	_ =	shalt  }
0x7f: {  	_ =	shalt  }
0x80: {  	_ =	shalt  }
0x81: {  	_ =	shalt  }
0x82: {  	_ =	shalt  }
0x83: {  	_ =	shalt  }
0x84: {  	_ =	shalt  }
0x85: {  	_ =	shalt  }
0x86: {  	_ =	shalt  }
0x87: {  	_ =	shalt  }
.Lfunc_end0:
.L_simem_size_0:
called_computation_lowered:
.L_overlay_start_0:
0x88: {  	s2 =	sld [smem:$0x3FD9]  }
0x89: {  	s3 =	sld [smem:$0x3FFE];
	_ =	sdelay $0x1  }
0x8a: {  	s1 =	srdreg.scid  }
0x8b: {  	s0 =	sand.u32 $0x1, s1  }
0x8c: {  	s16 =	sshll.u32 s0, $0xA;
	s2 =	sadd.s32 s3, s2  }
0x8d: {  	s2 =	sadd.s32 s2, s16  }
0x8e: {  	[smem:$0x3FC1] =	sst s2  }
0x8f: {  	_ = 	snop  }
0x90: {  	(tm) =	ssettm $0x1  }
0x91: {  	s17 =	sld [smem:$0x3FFB];
	_ =	sdelay $0x3  }
0x92: {  	_ =	strace s17  }
0x93: {  	s2 =	sld [smem:$0x3FFC];
	_ =	sdelay $0x3  }
0x94: {  	_ =	strace s2  }
0x95: {  	s2 =	sld [smem:$0x3FFD];
	_ =	sdelay $0x3  }
0x96: {  	_ =	strace s2  }
0x97: {  	_ =	strace $0x8FFFFFFF  }
0x98: {  	s18 =	sld [smem:$0x3FDB];
	_ =	sdelay $0x1  }
0x99: {  	s19 =	simm.s32 $_scs_section_size  }
0x9a: {  	s4 =	simm.s32 $_size__tile_overlayer_lowered;
	s5 =	simm.s32 $_tile_overlayer_lowered  }
0x9b: {  	s22 =	simm.s32 $0x1BFF;
	s21 =	sshll.u32 s5, $0x1;
	s2 =	sadd.s32 s19, s18  }
0x9c: {  	s6 =	simm.s32 $0x0;
	s20 =	sshll.u32 s4, $0x1;
	s4 =	sadd.s32 s21, s2  }
0x9d: {  	[timem:s6], [sflag:s22] =	dma.local [hbm:s4], s20  }
0x9e: {  	_ =	swait.ge [sflag:s22], s20  }
0x9f: {  	s3 =	ssub.s32 $0x0, s20;
	[sflag:s22] =	ssyncset.done $0x0  }
0xa0: {  	[sflag:s22] =	ssyncadd.s32 s3;
	_ =	sdelay $0x1  }
0xa1: {  	s23 =	simm.s32 $0x1B8B  }
0xa2: {  	_ =	swait.ge [sflag:s23], $0x1  }
0xa3: {  	[sflag:s23] =	ssyncset.done $0x0  }
0xa4: {  	s25 =	simm.s32 $0x1B8E;
	s24 =	sld [smem:$0x3FFE];
	[sflag:s23] =	ssyncadd.s32 $0xFFFFFFFF  }
0xa5: {  	s26 =	simm.s32 $execute0_lowered;
	[smem:$0x3FD2] =	sst s25  }
0xa6: {  	s4 =	sshll.u32 s26, $0x1;
	_ =	strace $0x80000046;
	[dreg:$0x1] =	wrdreg $0xFFFFFFFF  }
0xa7: {  	s28 =	simm.s32 $_size_execute0_lowered;
	s2 =	sadd.s32 s2, s4;
	[dreg:$0x0] =	wrdreg $0x0  }
0xa8: {  	s4 =	sshll.u32 s28, $0x1;
	[dreg:$0x2] =	wrdreg s2  }
0xa9: {  	[dreg:$0x3] =	wrdreg s4  }
0xaa: {  	[dreg:$0x4] =	wrdreg $0xC0  }
0xab: {  	_ =	task [dreg:s6], $0x5FFFF  }
0xac: {  	[dreg:$0x1] =	wrdreg $0xFFFFFFFF  }
0xad: {  	[dreg:$0x0] =	wrdreg $0x60  }
0xae: {  	[dreg:$0x2] =	wrdreg s24  }
0xaf: {  	[dreg:$0x3] =	wrdreg $0x104800  }
0xb0: {  	[dreg:$0x4] =	wrdreg $0x9  }
0xb1: {  	_ =	task.clear_ibuf [dreg:s6], $0x5FFFF;
	_ =	strace $0x90000046  }
0xb2: {  	s29 =	simm.s32 $0x9;
	_ =	strace $0x80000048  }
0xb3: {  	_ =	swait.ge [sflag:s29], $0x1  }
0xb4: {  	[sflag:s29] =	ssyncadd.s32 $0xFFFFFFFF  }
0xb5: {  	_ =	strace $0x90000048  }
0xb6: {  	_ =	sfence  }
0xb7: {  	s30 =	sld [smem:$0x0];
	_ =	sdelay $0x2  }
0xb8: {  	s31 =	sshll.u32 s1, $0xD;
	s1 =	sshrl.u32 s1, $0x2  }
0xb9: {  	s3 =	sand.u32 $0x4000, s31;
	s1 =	sadd.s32 s1, s30  }
0xba: {  	s0 =	sor.u32 s3, s0;
	s1 =	sshll.u32 s1, $0x11  }
0xbb: {  	s0 =	sor.u32 s1, s0  }
0xbc: {  	s0 =	sadd.s32 $0x8F2B, s0  }
0xbd: {  	[sflag:s0] =	ssyncadd.remote.s32 $0x1  }
0xbe: {  	_ =	sfence.sel $0xFFFF  }
0xbf: {  	[dreg:$0x0] =	wrdreg $0xFFFFFFFF;
	(pc) =	sbr.abs _section_cstart, $3  }
0xc0: {  	[dreg:$0x1] =	wrdreg $0xFFFFFFFF  }
0xc1: {  	_ =	task.clear_ibuf [dreg:s6], $0x2FFFF;
	_ =	strace $0x9FFFFFFF  }
0xc2: {  	(tm) =	ssettm $0x7FFFFFFF  }
0xc3: {  	_ =	shalt  }
tec
execute0_lowered:
.L_overlay_start_1:
0x0: {  	(tag) =	ssettag $0x1  }
0x1: {  	s0 =	rddreg [dreg:$0x0]  }
0x2: {  	s1 =	srdreg.scid;
	s8 =	stileid.u32  }
0x3: {  	s2 =	rddreg [dreg:$0x1];
	s3 =	simm.s32 $0x0;
	s20 =	simm.s32 $0x880  }
0x4: {  	s21 =	simm.s32 $0x100;
	s22 =	simm.s32 $0x900;
	s23 =	simm.s32 $0x180  }
0x5: {  	s24 =	simm.s32 $0x980;
	s9 =	simm.s32 $0x800;
	s25 =	simm.s32 $0x200  }
0x6: {  	s10 =	simm.s32 $0x80;
	s26 =	simm.s32 $0xA00;
	s11 =	simm.s32 $0x280  }
0x7: {  	s12 =	simm.s32 $0xA80;
	s13 =	simm.s32 $0x300;
	s28 =	simm.s32 $0x680  }
0x8: {  	s29 =	simm.s32 $0xE80;
	s30 =	simm.s32 $0x700;
	[smem:$0x7FF] =	sst s3  }
0x9: {  	s31 =	simm.s32 $0xF00;
	_ =	strace $0x80000047;
	[dreg:$0x5] =	wrdreg s20  }
0xa: {  	s1 =	sand.u32 $0x1, s1;
	s4 =	smul.u32 $0x1F000, s8;
	[dreg:$0x6] =	wrdreg s21  }
0xb: {  	s7 =	sshrl.u32 s8, $0x3;
	s16 =	smul.u32 $0x3D100, s8;
	[dreg:$0x7] =	wrdreg s22  }
0xc: {  	s14 =	sshll.u32 s8, $0x7;
	s5 =	smul.u32 $0xF800, s1;
	[dreg:$0x8] =	wrdreg s23  }
0xd: {  	s8 =	simm.s32 $0x1;
	s6 =	smul.u32 $0xF4800, s1;
	[dreg:$0x9] =	wrdreg s24  }
0xe: {  	s7 =	smul.u32 $0x7A400, s7;
	s1 =	ssub.s32 $0x2, s1;
	[dreg:$0xa] =	wrdreg s25  }
0xf: {  	[dreg:$0xb] =	wrdreg s26;
	s20 =	simm.s32 $0xC80;
	s21 =	simm.s32 $0x500  }
0x10: {  	s22 =	simm.s32 $0xD00;
	s23 =	simm.s32 $0x580;
	s24 =	simm.s32 $0xD80  }
0x11: {  	s25 =	simm.s32 $0x600;
	s26 =	simm.s32 $0xE00;
	s15 =	sshrl.u32 s1, $0x1  }
0x12: {  	s18 =	sshrl.u32 s16, $0x2;
	s16 =	simm.s32 $0xB80;
	s4 =	sadd.s32 s5, s4  }
0x13: {  	s6 =	sadd.s32 s6, s7;
	s5 =	sand.u32 $0x380, s14;
	s1 =	ssub.s32 s1, s15  }
0x14: {  	s14 =	simm.s32 $0xB00;
	s15 =	simm.s32 $0x380;
	s7 =	simm.s32 $0x0  }
0x15: {  	s4 =	sshrl.u32 s4, $0x3;
	s5 =	sor.u32 s5, s6;
	s1 =	smax.u32 s1, $0x1  }
0x16: {  	s4 =	sadd.s32 s4, s0;
	s5 =	sshrl.u32 s5, $0x3;
	[dreg:$0xe] =	wrdreg s1  }
0x17: {  	s1 =	simm.s32 $0x780;
	s0 =	sadd.s32 s5, s0;
	s17 =	sadd.s32 $0x3F600, s4  }
0x18: {  	s19 =	sadd.s32 $0x1600, s4;
	s4 =	sadd.s32 s18, s2;
	[dreg:$0x3] =	wrdreg s17  }
0x19: {  	s5 =	simm.s32 $0x1000;
	s18 =	simm.s32 $0xC00;
	[dreg:$0x4] =	wrdreg s19  }
0x1a: {  	s0 =	sadd.s32 $0x7D600, s0;
	s17 =	simm.s32 $0x400;
	[dreg:$0xc] =	wrdreg s4  }
0x1b: {  	v0 =	vimm.f32 $0.0e+00;
	s19 =	simm.s32 $0x480;
	[dreg:$0xd] =	wrdreg s0;
	s0 =	simm.s32 $0xF80  }
.LBB2_1:
0x1c: {  	[dreg:$0xf] =	wrdreg s7;
	s6 =	simm.s32 $0x40;
	s7 =	simm.s32 $0x0  }
.LBB2_2:
0x1d: {  	p0 =	sne.s32 s6, $0x3D0C0;
	[tilespmem:s7+$0x1000] =	vst v0;
	s7 =	smov.u32 s6;
	s6 =	sadd.s32 $0x40, s6  }
.Ltmp0:
0x1e: {  	(pc) =	sbr.rel @p0 .LBB2_2-.Ltmp0, $2  }
0x1f: {  	_ =	sdelay $0x2  }
0x20: {  	s7 =	sshra.s32 s7, $0x2  }
0x21: {  	[tilespmem:s7+$0x1000] =	vst v0  }
0x22: {  	[spmem:s4] =	stream.linear.scatter [tilespmem:s5], [sflag:$0x1], $0xF440, $0x38;
	[tilespmem:$0x1F8C0] =	vst v63  }
0x23: {  	_ =	swait.ge [sflag:s8], $0xF440  }
0x24: {  	[sflag:s8] =	ssyncset.done $0x0  }
0x25: {  	[sflag:s8] =	ssyncadd.s32 $0xFFFF0BC0  }
0x26: {  	[bflag:$0x0] =	sbarrier.arrive $0xFFFF  }
0x27: {  	s6 =	rddreg [dreg:$0x4]  }
0x28: {  	s6 =	sadd.s32 $0x0, s6  }
0x29: {  	[tilespmem:s3], [sflag:$0x1] =	stream.linear.gather [hbm4b:s6+s3], $0x800, $0x38;
	[tilespmem:$0x1F8C0] =	vst v63  }
0x2a: {  	_ =	swait.ge [sflag:s8], $0x800  }
0x2b: {  	s5 =	rddreg [dreg:$0x3];
	[sflag:s8] =	ssyncset.done $0x0  }
0x2c: {  	[sflag:s8] =	ssyncadd.s32 $0xFFFFF800;
	s6 =	sadd.s32 $0x0, s5  }
0x2d: {  	[tilespmem:s9], [sflag:$0x1] =	stream.linear.gather [hbm4b:s6+s3], $0x800, $0x38;
	[tilespmem:$0x1F8C0] =	vst v63  }
0x2e: {  	_ =	swait.ge [sflag:s8], $0x800  }
0x2f: {  	[sflag:s8] =	ssyncset.done $0x0  }
0x30: {  	[sflag:s8] =	ssyncadd.s32 $0xFFFFF800  }
0x31: {  	[spmem:s2] =	stream.indirect.scatter.add.f32 [tilespmem:s9], [sflag:$0x1], $0x1, s3, s10, $0xb8;
	[tilespmem:$0x1F8C0] =	vst v63  }
0x32: {  	_ =	swait.ge [sflag:s8], $0x80  }
0x33: {  	[sflag:s8] =	ssyncset.done $0x0  }
0x34: {  	s7 =	rddreg [dreg:$0x5];
	[sflag:s8] =	ssyncadd.s32 $0xFFFFFF80  }
0x35: {  	[spmem:s2] =	stream.indirect.scatter.add.f32 [tilespmem:s7], [sflag:$0x1], $0x1, s10, s10, $0xb8;
	[tilespmem:$0x1F8C0] =	vst v63  }
0x36: {  	_ =	swait.ge [sflag:s8], $0x80  }
0x37: {  	s4 =	rddreg [dreg:$0x6];
	[sflag:s8] =	ssyncset.done $0x0  }
0x38: {  	s5 =	rddreg [dreg:$0x7];
	[sflag:s8] =	ssyncadd.s32 $0xFFFFFF80  }
0x39: {  	[spmem:s2] =	stream.indirect.scatter.add.f32 [tilespmem:s5], [sflag:$0x1], $0x1, s4, s10, $0xb8;
	[tilespmem:$0x1F8C0] =	vst v63  }
0x3a: {  	_ =	swait.ge [sflag:s8], $0x80  }
0x3b: {  	s4 =	rddreg [dreg:$0x8];
	[sflag:s8] =	ssyncset.done $0x0  }
0x3c: {  	s5 =	rddreg [dreg:$0x9];
	[sflag:s8] =	ssyncadd.s32 $0xFFFFFF80  }
0x3d: {  	[spmem:s2] =	stream.indirect.scatter.add.f32 [tilespmem:s5], [sflag:$0x1], $0x1, s4, s10, $0xb8;
	[tilespmem:$0x1F8C0] =	vst v63  }
0x3e: {  	_ =	swait.ge [sflag:s8], $0x80  }
0x3f: {  	s4 =	rddreg [dreg:$0xa];
	[sflag:s8] =	ssyncset.done $0x0  }
0x40: {  	s5 =	rddreg [dreg:$0xb];
	[sflag:s8] =	ssyncadd.s32 $0xFFFFFF80  }
0x41: {  	[spmem:s2] =	stream.indirect.scatter.add.f32 [tilespmem:s5], [sflag:$0x1], $0x1, s4, s10, $0xb8;
	[tilespmem:$0x1F8C0] =	vst v63  }
0x42: {  	_ =	swait.ge [sflag:s8], $0x80  }
0x43: {  	[sflag:s8] =	ssyncset.done $0x0  }
0x44: {  	[sflag:s8] =	ssyncadd.s32 $0xFFFFFF80  }
0x45: {  	[spmem:s2] =	stream.indirect.scatter.add.f32 [tilespmem:s12], [sflag:$0x1], $0x1, s11, s10, $0xb8;
	[tilespmem:$0x1F8C0] =	vst v63  }
0x46: {  	_ =	swait.ge [sflag:s8], $0x80  }
0x47: {  	[sflag:s8] =	ssyncset.done $0x0  }
0x48: {  	[sflag:s8] =	ssyncadd.s32 $0xFFFFFF80  }
0x49: {  	[spmem:s2] =	stream.indirect.scatter.add.f32 [tilespmem:s14], [sflag:$0x1], $0x1, s13, s10, $0xb8;
	[tilespmem:$0x1F8C0] =	vst v63  }
0x4a: {  	_ =	swait.ge [sflag:s8], $0x80  }
0x4b: {  	[sflag:s8] =	ssyncset.done $0x0  }
0x4c: {  	[sflag:s8] =	ssyncadd.s32 $0xFFFFFF80  }
0x4d: {  	[spmem:s2] =	stream.indirect.scatter.add.f32 [tilespmem:s16], [sflag:$0x1], $0x1, s15, s10, $0xb8;
	[tilespmem:$0x1F8C0] =	vst v63  }
0x4e: {  	_ =	swait.ge [sflag:s8], $0x80  }
0x4f: {  	[sflag:s8] =	ssyncset.done $0x0  }
0x50: {  	[sflag:s8] =	ssyncadd.s32 $0xFFFFFF80  }
0x51: {  	[spmem:s2] =	stream.indirect.scatter.add.f32 [tilespmem:s18], [sflag:$0x1], $0x1, s17, s10, $0xb8;
	[tilespmem:$0x1F8C0] =	vst v63  }
0x52: {  	_ =	swait.ge [sflag:s8], $0x80  }
0x53: {  	[sflag:s8] =	ssyncset.done $0x0  }
0x54: {  	[sflag:s8] =	ssyncadd.s32 $0xFFFFFF80  }
0x55: {  	[spmem:s2] =	stream.indirect.scatter.add.f32 [tilespmem:s20], [sflag:$0x1], $0x1, s19, s10, $0xb8;
	[tilespmem:$0x1F8C0] =	vst v63  }
0x56: {  	_ =	swait.ge [sflag:s8], $0x80  }
0x57: {  	[sflag:s8] =	ssyncset.done $0x0  }
0x58: {  	[sflag:s8] =	ssyncadd.s32 $0xFFFFFF80  }
0x59: {  	[spmem:s2] =	stream.indirect.scatter.add.f32 [tilespmem:s22], [sflag:$0x1], $0x1, s21, s10, $0xb8;
	[tilespmem:$0x1F8C0] =	vst v63  }
0x5a: {  	_ =	swait.ge [sflag:s8], $0x80  }
0x5b: {  	[sflag:s8] =	ssyncset.done $0x0  }
0x5c: {  	[sflag:s8] =	ssyncadd.s32 $0xFFFFFF80  }
0x5d: {  	[spmem:s2] =	stream.indirect.scatter.add.f32 [tilespmem:s24], [sflag:$0x1], $0x1, s23, s10, $0xb8;
	[tilespmem:$0x1F8C0] =	vst v63  }
0x5e: {  	_ =	swait.ge [sflag:s8], $0x80  }
0x5f: {  	[sflag:s8] =	ssyncset.done $0x0  }
0x60: {  	[sflag:s8] =	ssyncadd.s32 $0xFFFFFF80  }
0x61: {  	[spmem:s2] =	stream.indirect.scatter.add.f32 [tilespmem:s26], [sflag:$0x1], $0x1, s25, s10, $0xb8;
	[tilespmem:$0x1F8C0] =	vst v63  }
0x62: {  	_ =	swait.ge [sflag:s8], $0x80  }
0x63: {  	[sflag:s8] =	ssyncset.done $0x0  }
0x64: {  	[sflag:s8] =	ssyncadd.s32 $0xFFFFFF80  }
0x65: {  	[spmem:s2] =	stream.indirect.scatter.add.f32 [tilespmem:s29], [sflag:$0x1], $0x1, s28, s10, $0xb8;
	[tilespmem:$0x1F8C0] =	vst v63  }
0x66: {  	_ =	swait.ge [sflag:s8], $0x80  }
0x67: {  	[sflag:s8] =	ssyncset.done $0x0  }
0x68: {  	[sflag:s8] =	ssyncadd.s32 $0xFFFFFF80  }
0x69: {  	[spmem:s2] =	stream.indirect.scatter.add.f32 [tilespmem:s31], [sflag:$0x1], $0x1, s30, s10, $0xb8;
	[tilespmem:$0x1F8C0] =	vst v63  }
0x6a: {  	_ =	swait.ge [sflag:s8], $0x80  }
0x6b: {  	[sflag:s8] =	ssyncset.done $0x0  }
0x6c: {  	s6 =	simm.s32 $0x100;
	[sflag:s8] =	ssyncadd.s32 $0xFFFFFF80  }
.LBB2_4:
0x6d: {  	[spmem:s2] =	stream.indirect.scatter.add.f32 [tilespmem:s0], [sflag:$0x1], $0x1, s1, s10, $0xb8;
	[tilespmem:$0x1F8C0] =	vst v63  }
0x6e: {  	_ =	swait.ge [sflag:s8], $0x80  }
0x6f: {  	s7 =	smov.u32 s6;
	s4 =	rddreg [dreg:$0x4];
	[sflag:s8] =	ssyncset.done $0x0  }
0x70: {  	[sflag:s8] =	ssyncadd.s32 $0xFFFFFF80;
	s4 =	sadd.s32 s7, s4  }
0x71: {  	[tilespmem:s3], [sflag:$0x1] =	stream.linear.gather [hbm4b:s4+s3], $0x800, $0x38;
	[tilespmem:$0x1F8C0] =	vst v63  }
0x72: {  	_ =	swait.ge [sflag:s8], $0x800  }
0x73: {  	s5 =	rddreg [dreg:$0x3];
	[sflag:s8] =	ssyncset.done $0x0  }
0x74: {  	[sflag:s8] =	ssyncadd.s32 $0xFFFFF800;
	s4 =	sadd.s32 s7, s5  }
0x75: {  	[tilespmem:s9], [sflag:$0x1] =	stream.linear.gather [hbm4b:s4+s3], $0x800, $0x38;
	[tilespmem:$0x1F8C0] =	vst v63  }
0x76: {  	_ =	swait.ge [sflag:s8], $0x800  }
0x77: {  	[sflag:s8] =	ssyncset.done $0x0  }
0x78: {  	[sflag:s8] =	ssyncadd.s32 $0xFFFFF800  }
0x79: {  	[spmem:s2] =	stream.indirect.scatter.add.f32 [tilespmem:s9], [sflag:$0x1], $0x1, s3, s10, $0xb8;
	[tilespmem:$0x1F8C0] =	vst v63  }
0x7a: {  	_ =	swait.ge [sflag:s8], $0x80  }
0x7b: {  	[sflag:s8] =	ssyncset.done $0x0  }
0x7c: {  	s5 =	rddreg [dreg:$0x5];
	[sflag:s8] =	ssyncadd.s32 $0xFFFFFF80  }
0x7d: {  	[spmem:s2] =	stream.indirect.scatter.add.f32 [tilespmem:s5], [sflag:$0x1], $0x1, s10, s10, $0xb8;
	[tilespmem:$0x1F8C0] =	vst v63  }
0x7e: {  	_ =	swait.ge [sflag:s8], $0x80  }
0x7f: {  	s7 =	rddreg [dreg:$0x6];
	[sflag:s8] =	ssyncset.done $0x0  }
0x80: {  	s5 =	rddreg [dreg:$0x7];
	[sflag:s8] =	ssyncadd.s32 $0xFFFFFF80  }
0x81: {  	[spmem:s2] =	stream.indirect.scatter.add.f32 [tilespmem:s5], [sflag:$0x1], $0x1, s7, s10, $0xb8;
	[tilespmem:$0x1F8C0] =	vst v63  }
0x82: {  	_ =	swait.ge [sflag:s8], $0x80  }
0x83: {  	[sflag:s8] =	ssyncset.done $0x0;
	s7 =	rddreg [dreg:$0x8]  }
0x84: {  	s5 =	rddreg [dreg:$0x9];
	[sflag:s8] =	ssyncadd.s32 $0xFFFFFF80  }
0x85: {  	[spmem:s2] =	stream.indirect.scatter.add.f32 [tilespmem:s5], [sflag:$0x1], $0x1, s7, s10, $0xb8;
	[tilespmem:$0x1F8C0] =	vst v63  }
0x86: {  	_ =	swait.ge [sflag:s8], $0x80  }
0x87: {  	[sflag:s8] =	ssyncset.done $0x0;
	s7 =	rddreg [dreg:$0xa]  }
0x88: {  	s5 =	rddreg [dreg:$0xb];
	[sflag:s8] =	ssyncadd.s32 $0xFFFFFF80  }
0x89: {  	[spmem:s2] =	stream.indirect.scatter.add.f32 [tilespmem:s5], [sflag:$0x1], $0x1, s7, s10, $0xb8;
	[tilespmem:$0x1F8C0] =	vst v63  }
0x8a: {  	_ =	swait.ge [sflag:s8], $0x80  }
0x8b: {  	[sflag:s8] =	ssyncset.done $0x0  }
0x8c: {  	[sflag:s8] =	ssyncadd.s32 $0xFFFFFF80  }
0x8d: {  	[spmem:s2] =	stream.indirect.scatter.add.f32 [tilespmem:s12], [sflag:$0x1], $0x1, s11, s10, $0xb8;
	[tilespmem:$0x1F8C0] =	vst v63  }
0x8e: {  	_ =	swait.ge [sflag:s8], $0x80  }
0x8f: {  	[sflag:s8] =	ssyncset.done $0x0  }
0x90: {  	[sflag:s8] =	ssyncadd.s32 $0xFFFFFF80  }
0x91: {  	[spmem:s2] =	stream.indirect.scatter.add.f32 [tilespmem:s14], [sflag:$0x1], $0x1, s13, s10, $0xb8;
	[tilespmem:$0x1F8C0] =	vst v63  }
0x92: {  	_ =	swait.ge [sflag:s8], $0x80  }
0x93: {  	[sflag:s8] =	ssyncset.done $0x0  }
0x94: {  	[sflag:s8] =	ssyncadd.s32 $0xFFFFFF80  }
0x95: {  	[spmem:s2] =	stream.indirect.scatter.add.f32 [tilespmem:s16], [sflag:$0x1], $0x1, s15, s10, $0xb8;
	[tilespmem:$0x1F8C0] =	vst v63  }
0x96: {  	_ =	swait.ge [sflag:s8], $0x80  }
0x97: {  	[sflag:s8] =	ssyncset.done $0x0  }
0x98: {  	[sflag:s8] =	ssyncadd.s32 $0xFFFFFF80  }
0x99: {  	[spmem:s2] =	stream.indirect.scatter.add.f32 [tilespmem:s18], [sflag:$0x1], $0x1, s17, s10, $0xb8;
	[tilespmem:$0x1F8C0] =	vst v63  }
0x9a: {  	_ =	swait.ge [sflag:s8], $0x80  }
0x9b: {  	[sflag:s8] =	ssyncset.done $0x0  }
0x9c: {  	[sflag:s8] =	ssyncadd.s32 $0xFFFFFF80  }
0x9d: {  	[spmem:s2] =	stream.indirect.scatter.add.f32 [tilespmem:s20], [sflag:$0x1], $0x1, s19, s10, $0xb8;
	[tilespmem:$0x1F8C0] =	vst v63  }
0x9e: {  	_ =	swait.ge [sflag:s8], $0x80  }
0x9f: {  	[sflag:s8] =	ssyncset.done $0x0  }
0xa0: {  	[sflag:s8] =	ssyncadd.s32 $0xFFFFFF80  }
0xa1: {  	[spmem:s2] =	stream.indirect.scatter.add.f32 [tilespmem:s22], [sflag:$0x1], $0x1, s21, s10, $0xb8;
	[tilespmem:$0x1F8C0] =	vst v63  }
0xa2: {  	_ =	swait.ge [sflag:s8], $0x80  }
0xa3: {  	[sflag:s8] =	ssyncset.done $0x0  }
0xa4: {  	[sflag:s8] =	ssyncadd.s32 $0xFFFFFF80  }
0xa5: {  	[spmem:s2] =	stream.indirect.scatter.add.f32 [tilespmem:s24], [sflag:$0x1], $0x1, s23, s10, $0xb8;
	[tilespmem:$0x1F8C0] =	vst v63  }
0xa6: {  	_ =	swait.ge [sflag:s8], $0x80  }
0xa7: {  	[sflag:s8] =	ssyncset.done $0x0  }
0xa8: {  	[sflag:s8] =	ssyncadd.s32 $0xFFFFFF80  }
0xa9: {  	[spmem:s2] =	stream.indirect.scatter.add.f32 [tilespmem:s26], [sflag:$0x1], $0x1, s25, s10, $0xb8;
	[tilespmem:$0x1F8C0] =	vst v63  }
0xaa: {  	_ =	swait.ge [sflag:s8], $0x80  }
0xab: {  	[sflag:s8] =	ssyncset.done $0x0  }
0xac: {  	[sflag:s8] =	ssyncadd.s32 $0xFFFFFF80  }
0xad: {  	[spmem:s2] =	stream.indirect.scatter.add.f32 [tilespmem:s29], [sflag:$0x1], $0x1, s28, s10, $0xb8;
	[tilespmem:$0x1F8C0] =	vst v63  }
0xae: {  	_ =	swait.ge [sflag:s8], $0x80  }
0xaf: {  	p0 =	sne.s32 s6, $0x1E00;
	[sflag:s8] =	ssyncset.done $0x0  }
.Ltmp1:
0xb0: {  	[sflag:s8] =	ssyncadd.s32 $0xFFFFFF80;
	(pc) =	sbr.rel @p0 .LBB2_4-.Ltmp1, $4  }
0xb1: {  	[spmem:s2] =	stream.indirect.scatter.add.f32 [tilespmem:s31], [sflag:$0x1], $0x1, s30, s10, $0xb8;
	[tilespmem:$0x1F8C0] =	vst v63  }
0xb2: {  	_ =	swait.ge [sflag:s8], $0x80  }
0xb3: {  	[sflag:s8] =	ssyncset.done $0x0  }
0xb4: {  	s6 =	sadd.s32 $0x100, s6;
	[sflag:s8] =	ssyncadd.s32 $0xFFFFFF80  }
0xb5: {  	[spmem:s2] =	stream.indirect.scatter.add.f32 [tilespmem:s0], [sflag:$0x1], $0x1, s1, s10, $0xb8;
	[tilespmem:$0x1F8C0] =	vst v63  }
0xb6: {  	_ =	swait.ge [sflag:s8], $0x80  }
0xb7: {  	[sflag:s8] =	ssyncset.done $0x0  }
0xb8: {  	[sflag:s8] =	ssyncadd.s32 $0xFFFFFF80  }
0xb9: {  	[bflag:$0x0] =	sbarrier.arrive $0xFFFF  }
0xba: {  	s7 =	simm.s32 $0x1000;
	s4 =	rddreg [dreg:$0xc]  }
0xbb: {  	[tilespmem:s7], [sflag:$0x1] =	stream.linear.gather [spmem:s4], $0xF440, $0x38;
	[tilespmem:$0x1F8C0] =	vst v63  }
0xbc: {  	_ =	swait.ge [sflag:s8], $0xF440  }
0xbd: {  	[sflag:s8] =	ssyncset.done $0x0  }
0xbe: {  	s6 =	rddreg [dreg:$0xd];
	[sflag:s8] =	ssyncadd.s32 $0xFFFF0BC0  }
0xbf: {  	[hbm4b:s6+s10] =	stream.strided.scatter [tilespmem:s7], [sflag:$0x1], $0xF480, s17, s10, $0x38;
	[tilespmem:$0x1F8C0] =	vst v63  }
0xc0: {  	_ =	swait.ge [sflag:s8], $0xF480  }
0xc1: {  	s6 =	rddreg [dreg:$0xf]  }
0xc2: {  	s7 =	sadd.s32 $0x1, s6;
	s6 =	rddreg [dreg:$0xe]  }
0xc3: {  	p0 =	sne.s32 s7, s6  }
.Ltmp2:
0xc4: {  	_ = 	snop;
	(pc) =	sbr.rel @p0 .LBB2_1-.Ltmp2, $3  }
0xc5: {  	_ =	sdelay $0x1  }
0xc6: {  	[sflag:s8] =	ssyncset.done $0x0  }
0xc7: {  	s5 =	simm.s32 $0x1000;
	[sflag:s8] =	ssyncadd.s32 $0xFFFF0B80  }
0xc8: {  	_ =	sfence.sel $0x180000  }
0xc9: {  	[bflag:$0x0] =	sbarrier.arrive $0xFFFF  }
0xca: {  	_ =	strace $0x90000047  }
0xcb: {  	s0 =	stileid.u32;
	[bflag:$0x2] =	sbarrier.arrive $0xFFFF  }
0xcc: {  	p0 =	sne.s32 s0, $0x0;
	s0 =	rddreg [dreg:$0x2]  }
0xcd: {  	s0 =	sadd.s32 @!p0 $0x100000, s0  }
0xce: {  	[sflag:s0] =	ssyncadd.tile.s32 @!p0 $0x1;
	_ =	shalt  }
.Lfunc_end2:
_tile_overlayer_lowered:
.L_overlay_start_2:
0xcf: {  	(tag) =	ssettag $0x2  }
0xd0: {  	s0 =	rddreg [dreg:$0x0];
	s2 =	stileid.u32  }
0xd1: {  	s1 =	rddreg [dreg:$0x1];
	p0 =	sne.s32 s2, $0x0  }
0xd2: {  	s3 =	rddreg [dreg:$0x2];
	[bflag:$0x3] =	sbarrier.arrive $0xFFFF;
	s2 =	simm.s32 @!p0 $0x1C01  }
0xd3: {  	[timem:s3], [sflag:s2] =	dma.local @!p0 [hbm:s0], s1  }
0xd4: {  	s0 =	simm.s32 @!p0 $0x1  }
0xd5: {  	_ =	swait.ge @!p0 [sflag:s0], s1  }
0xd6: {  	s1 =	ssub.s32 @!p0 $0x0, s1;
	[sflag:s0] =	ssyncset.done @!p0 $0x0  }
0xd7: {  	[sflag:s0] =	ssyncadd.s32 @!p0 s1  }
0xd8: {  	[bflag:$0x3] =	sbarrier.arrive $0xFFFF  }
0xd9: {  	_ =	shalt  }

</sc_bundles>
